<compile_context>
chip_gen: v7x
topology: tpu7x:2x2x1
jax: 0.10.2.dev20260603
libtpu: 0.0.44.dev20260713+nightly
codegen_flags: <defaults>
</compile_context>

<pallas_src>
import functools

import jax
import jax.numpy as jnp
from jax import lax
from jax.experimental import pallas as pl
from jax.experimental.pallas import tpu as pltpu
from jax.experimental.pallas import tpu_sc as plsc

_N = 10000
_E = 160000
_D = 256
_H = 256
_O = 10
_G = 64

_NC = 2
_NS = 16
_HH = _H // 2
_EC = 96
_NITER = 105
_EPAD = _NS * _NITER * _EC
_DC = 128
_NITER_D = 40
_DPAD = _NC * _NS * _NITER_D * _DC
_NPAD = 10240
_NPT = _NPAD // _NS

_BN = 2000
_GRID = _N // _BN



def _deg_body(dst_hbm, ones_hbm, zeros_hbm, part_hbm, dstv, onesv, acc):
  c = lax.axis_index("c")
  s = lax.axis_index("s")
  w = s * _NC + c

  pltpu.sync_copy(zeros_hbm, acc.at[pl.ds(s * _NPT, _NPT)])
  plsc.subcore_barrier()

  pltpu.sync_copy(ones_hbm, onesv)
  pltpu.sync_copy(dst_hbm.at[w], dstv)

  def body(j, carry):
    pltpu.sync_copy(onesv, acc.at[dstv.at[j]], add=True)
    return carry
  lax.fori_loop(0, _NITER_D, body, 0)

  plsc.subcore_barrier()

  @pl.when(s == 0)
  def _():
    pltpu.sync_copy(acc.at[pl.ds(0, _N)], part_hbm.at[c])


@functools.lru_cache(maxsize=None)
def _deg_kernel():
  return pl.kernel(
      _deg_body,
      out_type=jax.ShapeDtypeStruct((_NC, _N, 128), jnp.float32),
      mesh=plsc.VectorSubcoreMesh(
          core_axis_name="c", subcore_axis_name="s",
          num_cores=_NC, num_subcores=_NS),
      scratch_types=[
          pltpu.VMEM((_NITER_D, _DC), jnp.int32),
          pltpu.VMEM((_DC, 128), jnp.float32),
          pltpu.VMEM_SHARED((_NPAD, 128), jnp.float32),
      ],
  )


def _agg_process(tab, out, s, srcv, dstv, rows, acc, sem):
  sl = pl.ds(s * _NPT, _NPT)
  pltpu.sync_copy(tab.at[sl], acc.at[sl])
  plsc.subcore_barrier()

  def body(j, carry):
    pltpu.async_copy(tab.at[srcv.at[j]], rows, sem).wait()
    pltpu.sync_copy(rows, acc.at[dstv.at[j]], add=True)
    return carry
  lax.fori_loop(0, _NITER, body, 0)

  plsc.subcore_barrier()
  pltpu.sync_copy(acc.at[sl], out.at[sl])


def _agg_body(y0_hbm, y1_hbm, sd_hbm, a0_hbm, a1_hbm,
              sdv, rows, acc, sem):
  c = lax.axis_index("c")
  s = lax.axis_index("s")

  pltpu.sync_copy(sd_hbm.at[s], sdv)
  srcv = sdv.at[0]
  dstv = sdv.at[1]

  @pl.when(c == 0)
  def _():
    _agg_process(y0_hbm, a0_hbm, s, srcv, dstv, rows, acc, sem)

  @pl.when(c == 1)
  def _():
    _agg_process(y1_hbm, a1_hbm, s, srcv, dstv, rows, acc, sem)


@functools.lru_cache(maxsize=None)
def _agg_kernel():
  return pl.kernel(
      _agg_body,
      out_type=[
          jax.ShapeDtypeStruct((_NPAD, _HH), jnp.float32),
          jax.ShapeDtypeStruct((_NPAD, _HH), jnp.float32),
      ],
      mesh=plsc.VectorSubcoreMesh(
          core_axis_name="c", subcore_axis_name="s",
          num_cores=_NC, num_subcores=_NS),
      scratch_types=[
          pltpu.VMEM((2, _NITER, _EC), jnp.int32),
          pltpu.VMEM((_EC, _HH), jnp.float32),
          pltpu.VMEM_SHARED((_NPAD, _HH), jnp.float32),
          pltpu.SemaphoreType.DMA,
      ],
  )



def _tc1_body(x_ref, w_ref, p0_ref, p1_ref, y0_ref, y1_ref, dinv_ref):
  h = jnp.dot(x_ref[...], w_ref[...], preferred_element_type=jnp.float32)
  deg = p0_ref[...] + p1_ref[...] + 1.0
  dinv = lax.rsqrt(jnp.maximum(deg, 1.0))
  dinv_ref[...] = dinv
  y = h * dinv
  y0_ref[...] = y[:, :_HH]
  y1_ref[...] = y[:, _HH:]


def _tc2_body(a0_ref, a1_ref, dinv_ref, b_ref, w_ref, o0_ref, o1_ref):
  dinv = dinv_ref[...]
  pre = jnp.concatenate([a0_ref[...], a1_ref[...]], axis=1)
  z = jax.nn.relu(pre * dinv + b_ref[...])
  y2 = jnp.dot(z, w_ref[...], preferred_element_type=jnp.float32) * dinv
  o0_ref[...] = y2[:, :_HH]
  o1_ref[...] = y2[:, _HH:]


def _tc3_body(a0_ref, a1_ref, dinv_ref, b_ref, batch_ref,
              wf_ref, bf_ref, out_ref, psum, pcnt):
  i = pl.program_id(0)
  dinv = dinv_ref[...]
  pre = jnp.concatenate([a0_ref[...], a1_ref[...]], axis=1)
  z = jax.nn.relu(pre * dinv + b_ref[...])

  bvec = batch_ref[...][:, 0]
  seg = lax.broadcasted_iota(jnp.int32, (_G, _BN), 0)
  onehot = (bvec[None, :] == seg).astype(jnp.float32)
  ps = jnp.dot(onehot, z, preferred_element_type=jnp.float32)
  cn = jnp.sum(onehot, axis=1, keepdims=True)

  @pl.when(i == 0)
  def _():
    psum[...] = ps
    pcnt[...] = cn

  @pl.when(i > 0)
  def _():
    psum[...] += ps
    pcnt[...] += cn

  @pl.when(i == _GRID - 1)
  def _():
    pooled = psum[...] / jnp.maximum(pcnt[...], 1.0)
    out_ref[...] = (
        jnp.dot(pooled, wf_ref[...], preferred_element_type=jnp.float32)
        + bf_ref[...])


def _row_spec(w):
  return pl.BlockSpec((_BN, w), lambda i: (i, 0))


def _fix_spec(shape):
  return pl.BlockSpec(shape, lambda i: tuple(0 for _ in shape))


_tc1 = pl.pallas_call(
    _tc1_body,
    grid=(_GRID,),
    in_specs=[
        _row_spec(_D),
        _fix_spec((_D, _H)),
        _row_spec(1),
        _row_spec(1),
    ],
    out_specs=[_row_spec(_HH), _row_spec(_HH), _row_spec(1)],
    out_shape=[
        jax.ShapeDtypeStruct((_NPAD, _HH), jnp.float32),
        jax.ShapeDtypeStruct((_NPAD, _HH), jnp.float32),
        jax.ShapeDtypeStruct((_N, 1), jnp.float32),
    ],
)

_tc2 = pl.pallas_call(
    _tc2_body,
    grid=(_GRID,),
    in_specs=[
        _row_spec(_HH), _row_spec(_HH),
        _row_spec(1),
        _fix_spec((1, _H)),
        _fix_spec((_H, _H)),
    ],
    out_specs=[_row_spec(_HH), _row_spec(_HH)],
    out_shape=[
        jax.ShapeDtypeStruct((_NPAD, _HH), jnp.float32),
        jax.ShapeDtypeStruct((_NPAD, _HH), jnp.float32),
    ],
)

_tc3 = pl.pallas_call(
    _tc3_body,
    grid=(_GRID,),
    in_specs=[
        _row_spec(_HH), _row_spec(_HH),
        _row_spec(1),
        _fix_spec((1, _H)),
        _row_spec(1),
        _fix_spec((_H, _O)),
        _fix_spec((1, _O)),
    ],
    out_specs=_fix_spec((_G, _O)),
    out_shape=jax.ShapeDtypeStruct((_G, _O), jnp.float32),
    scratch_shapes=[
        pltpu.VMEM((_G, _H), jnp.float32),
        pltpu.VMEM((_G, 1), jnp.float32),
    ],
)



@jax.jit
def kernel(x, edge_index, batch, W1, b1, W2, b2, Wf, bf):
  pad_src = jnp.zeros((_EPAD - _E,), jnp.int32)
  pad_dst = _N + (jnp.arange(_EPAD - _E, dtype=jnp.int32) % (_NPAD - _N))
  srcr = jnp.concatenate([edge_index[0], pad_src]).reshape(_NS, _NITER, _EC)
  dstr = jnp.concatenate([edge_index[1], pad_dst]).reshape(_NS, _NITER, _EC)
  sd = jnp.stack([srcr, dstr], axis=1)
  pad_d = _N + (jnp.arange(_DPAD - _E, dtype=jnp.int32) % (_NPAD - _N))
  dst_d = jnp.concatenate([edge_index[1], pad_d]).reshape(
      _NC * _NS, _NITER_D, _DC)

  ones_d = jnp.ones((_DC, 128), jnp.float32)
  zeros_d = jnp.zeros((_NPT, 128), jnp.float32)

  parts = _deg_kernel()(dst_d, ones_d, zeros_d)
  p0 = parts[0, :, 0].reshape(_N, 1)
  p1 = parts[1, :, 0].reshape(_N, 1)

  y0, y1, dinv = _tc1(x, W1, p0, p1)
  a0, a1 = _agg_kernel()(y0, y1, sd)
  t0, t1 = _tc2(a0, a1, dinv, b1.reshape(1, _H), W2)
  c0, c1 = _agg_kernel()(t0, t1, sd)
  out = _tc3(c0, c1, dinv, b2.reshape(1, _H),
             batch.reshape(_N, 1), Wf, bf.reshape(1, _O))
  return out

# --- scband reference (transcript-rebuilt; emitter-appended) ---
"""Pipeline reference for scband-parameter-predictor-16389595201658 (READ-ONLY COPY).

The authoritative reference and input builder live on the scoring server;
editing this copy changes nothing except your own understanding.
"""

import jax, jax.numpy as jnp
import numpy as np

N = 10000
E = 160000
D = 256
H = 256
O = 10
G = 64


def setup_inputs(seed: int = 0) -> dict:
    key = jax.random.key(seed)
    ks = jax.random.split(key, 9)
    x = jax.random.normal(ks[0], (N, D), dtype=jnp.float32)
    edge_index = jax.random.randint(ks[1], (2, E), 0, N, dtype=jnp.int32)
    batch = jnp.sort(jax.random.randint(ks[2], (N,), 0, G, dtype=jnp.int32))
    W1 = jax.random.normal(ks[3], (D, H), dtype=jnp.float32) * (1.0 / np.sqrt(D))
    b1 = jnp.zeros((H,), dtype=jnp.float32)
    W2 = jax.random.normal(ks[4], (H, H), dtype=jnp.float32) * (1.0 / np.sqrt(H))
    b2 = jnp.zeros((H,), dtype=jnp.float32)
    Wf = jax.random.normal(ks[5], (H, O), dtype=jnp.float32) * (1.0 / np.sqrt(H))
    bf = jnp.zeros((O,), dtype=jnp.float32)
    return {"x": x, "edge_index": edge_index, "batch": batch,
            "W1": W1, "b1": b1, "W2": W2, "b2": b2, "Wf": Wf, "bf": bf}


def _gcn_conv(x, edge_index, W, b):
    # GCNConv: x' = D^{-1/2} (A + I) D^{-1/2} X W + b  (symmetric normalization,
    # self-loops added, matching torch_geometric defaults)
    h = x @ W
    loop = jnp.arange(N, dtype=edge_index.dtype)
    src = jnp.concatenate([edge_index[0], loop])
    dst = jnp.concatenate([edge_index[1], loop])
    deg = jnp.zeros((N,), dtype=x.dtype).at[dst].add(1.0)
    dinv = jax.lax.rsqrt(jnp.maximum(deg, 1.0))
    norm = dinv[src] * dinv[dst]
    msg = h[src] * norm[:, None]
    out = jnp.zeros((N, h.shape[1]), dtype=x.dtype).at[dst].add(msg)
    return out + b


def reference(x, edge_index, batch, W1, b1, W2, b2, Wf, bf):
    h = jax.nn.relu(_gcn_conv(x, edge_index, W1, b1))
    h = jax.nn.relu(_gcn_conv(h, edge_index, W2, b2))
    sums = jax.ops.segment_sum(h, batch, num_segments=G)
    cnt = jax.ops.segment_sum(jnp.ones((N, 1), dtype=h.dtype), batch, num_segments=G)
    pooled = sums / jnp.maximum(cnt, 1.0)
    return pooled @ Wf + bf

if __name__ == "__main__":
    import jax
    _d = setup_inputs()
    print(jax.jit(kernel)(*tuple(_d.values())))

</pallas_src>

<mosaic_0001>
#map = affine_map<(d0, d1) -> (0, 0, 0)>
#map1 = affine_map<(d0, d1) -> (0, 0)>
module attributes {stable_mosaic.version = 14 : i64} {
  func.func @_deg_body(%arg0: i32, %arg1: i32, %arg2: memref<32x40x128xi32, #tpu.memory_space<hbm>>, %arg3: memref<128x128xf32, #tpu.memory_space<hbm>>, %arg4: memref<640x128xf32, #tpu.memory_space<hbm>>, %arg5: memref<2x10000x128xf32, #tpu.memory_space<hbm>>, %arg6: memref<40x128xi32, #tpu.memory_space<vmem>>, %arg7: memref<128x128xf32, #tpu.memory_space<vmem>>, %arg8: memref<10240x128xf32, #tpu.memory_space<vmem_shared>>) attributes {dimension_semantics = [#tpu.dimension_semantics<core_parallel>, #tpu.dimension_semantics<subcore_parallel>], iteration_bounds = array<i64: 2, 16>, scalar_prefetch = 0 : i64, scratch_operands = 3 : i64, tpu.core_type = #tpu.core_type<sc_vector_subcore>, window_params = [{transform_indices = #map}, {transform_indices = #map1}, {transform_indices = #map1}, {transform_indices = #map}]} {
    %mul3A = arith.constant 2 : i32
    %mul3A_0 = arith.muli %arg1, %mul3A : i32
    %add3A = arith.addi %mul3A_0, %arg0 : i32
    %mul3A_1 = arith.constant 640 : i32
    %mul3A_2 = arith.muli %arg1, %mul3A_1 : i32
    "tpu.region"() ({
      %run_scoped3A = tpu.sem_alloc : memref<!tpu.dma_semaphore, #tpu.memory_space<semaphore_mem>>
      %dma_start3A = arith.constant 0 : i32
      %dma_start3A_11 = tpu.memref_slice %arg8[%mul3A_2, %dma_start3A] : memref<10240x128xf32, #tpu.memory_space<vmem_shared>> -> memref<640x128xf32, #tpu.memory_space<vmem_shared>>
      tpu.enqueue_dma source(%arg4 : memref<640x128xf32, #tpu.memory_space<hbm>>) target(%dma_start3A_11 : memref<640x128xf32, #tpu.memory_space<vmem_shared>>) target_semaphore(%run_scoped3A : memref<!tpu.dma_semaphore, #tpu.memory_space<semaphore_mem>>)
      %dma_wait3A = arith.constant 0 : i32
      %dma_wait3A_12 = tpu.memref_slice %arg8[%mul3A_2, %dma_wait3A] : memref<10240x128xf32, #tpu.memory_space<vmem_shared>> -> memref<640x128xf32, #tpu.memory_space<vmem_shared>>
      tpu.wait_dma2 semaphore(%run_scoped3A : memref<!tpu.dma_semaphore, #tpu.memory_space<semaphore_mem>>) src(%arg4 : memref<640x128xf32, #tpu.memory_space<hbm>>) dst(%dma_wait3A_12 : memref<640x128xf32, #tpu.memory_space<vmem_shared>>)
      tpu.yield
    }) : () -> ()
    %barrier3A = arith.constant 0 : index
    tpu.barrier barrier_id(%barrier3A)
    "tpu.region"() ({
      %run_scoped3A = tpu.sem_alloc : memref<!tpu.dma_semaphore, #tpu.memory_space<semaphore_mem>>
      tpu.enqueue_dma source(%arg3 : memref<128x128xf32, #tpu.memory_space<hbm>>) target(%arg7 : memref<128x128xf32, #tpu.memory_space<vmem>>) target_semaphore(%run_scoped3A : memref<!tpu.dma_semaphore, #tpu.memory_space<semaphore_mem>>)
      tpu.wait_dma2 semaphore(%run_scoped3A : memref<!tpu.dma_semaphore, #tpu.memory_space<semaphore_mem>>) src(%arg3 : memref<128x128xf32, #tpu.memory_space<hbm>>) dst(%arg7 : memref<128x128xf32, #tpu.memory_space<vmem>>)
      tpu.yield
    }) : () -> ()
    "tpu.region"() ({
      %run_scoped3A = tpu.sem_alloc : memref<!tpu.dma_semaphore, #tpu.memory_space<semaphore_mem>>
      %dma_start3A = arith.constant 0 : i32
      %dma_start3A_11 = arith.constant 0 : i32
      %dma_start3A_12 = tpu.memref_slice %arg2[%add3A, %dma_start3A, %dma_start3A_11] : memref<32x40x128xi32, #tpu.memory_space<hbm>> -> memref<1x40x128xi32, #tpu.memory_space<hbm>>
      %dma_start3A_13 = tpu.memref_squeeze %dma_start3A_12 : memref<1x40x128xi32, #tpu.memory_space<hbm>> -> memref<40x128xi32, #tpu.memory_space<hbm>>
      %dma_start3A_14 = arith.constant 0 : i32
      %dma_start3A_15 = arith.constant 0 : i32
      %dma_start3A_16 = tpu.memref_slice %arg2[%add3A, %dma_start3A_14, %dma_start3A_15] : memref<32x40x128xi32, #tpu.memory_space<hbm>> -> memref<1x40x128xi32, #tpu.memory_space<hbm>>
      %dma_start3A_17 = tpu.memref_squeeze %dma_start3A_16 : memref<1x40x128xi32, #tpu.memory_space<hbm>> -> memref<40x128xi32, #tpu.memory_space<hbm>>
      tpu.enqueue_dma source(%dma_start3A_17 : memref<40x128xi32, #tpu.memory_space<hbm>>) target(%arg6 : memref<40x128xi32, #tpu.memory_space<vmem>>) target_semaphore(%run_scoped3A : memref<!tpu.dma_semaphore, #tpu.memory_space<semaphore_mem>>)
      %dma_wait3A = arith.constant 0 : i32
      %dma_wait3A_18 = arith.constant 0 : i32
      %dma_wait3A_19 = tpu.memref_slice %arg2[%add3A, %dma_wait3A, %dma_wait3A_18] : memref<32x40x128xi32, #tpu.memory_space<hbm>> -> memref<1x40x128xi32, #tpu.memory_space<hbm>>
      %dma_wait3A_20 = tpu.memref_squeeze %dma_wait3A_19 : memref<1x40x128xi32, #tpu.memory_space<hbm>> -> memref<40x128xi32, #tpu.memory_space<hbm>>
      %dma_wait3A_21 = arith.constant 0 : i32
      %dma_wait3A_22 = arith.constant 0 : i32
      %dma_wait3A_23 = tpu.memref_slice %arg2[%add3A, %dma_wait3A_21, %dma_wait3A_22] : memref<32x40x128xi32, #tpu.memory_space<hbm>> -> memref<1x40x128xi32, #tpu.memory_space<hbm>>
      %dma_wait3A_24 = tpu.memref_squeeze %dma_wait3A_23 : memref<1x40x128xi32, #tpu.memory_space<hbm>> -> memref<40x128xi32, #tpu.memory_space<hbm>>
      tpu.wait_dma2 semaphore(%run_scoped3A : memref<!tpu.dma_semaphore, #tpu.memory_space<semaphore_mem>>) src(%dma_wait3A_24 : memref<40x128xi32, #tpu.memory_space<hbm>>) dst(%arg6 : memref<40x128xi32, #tpu.memory_space<vmem>>)
      tpu.yield
    }) : () -> ()
    %scan3A = arith.constant 0 : i32
    %scan3A_3 = arith.constant 0 : i32
    %scan3A_4 = arith.constant 40 : i32
    %scan3A_5 = arith.addi %scan3A_3, %scan3A_4 : i32
    %scan3A_6 = arith.constant 1 : i32
    scf.for %scan3A_11 = %scan3A_3 to %scan3A_5 step %scan3A_6  : i32 {
      "tpu.region"() ({
        %run_scoped3A = tpu.sem_alloc : memref<!tpu.dma_semaphore, #tpu.memory_space<semaphore_mem>>
        %dma_start3A = arith.constant 0 : i32
        %dma_start3A_12 = tpu.memref_slice %arg6[%scan3A_11, %dma_start3A] : memref<40x128xi32, #tpu.memory_space<vmem>> -> memref<1x128xi32, #tpu.memory_space<vmem>>
        %dma_start3A_13 = tpu.memref_squeeze %dma_start3A_12 : memref<1x128xi32, #tpu.memory_space<vmem>> -> memref<128xi32, #tpu.memory_space<vmem>>
        %dma_start3A_14 = arith.constant 0 : i32
        %dma_start3A_15 = arith.constant 0 : i32
        %dma_start3A_16 = tpu.memref_slice %arg8[%dma_start3A_14, %dma_start3A_15] : memref<10240x128xf32, #tpu.memory_space<vmem_shared>> -> memref<10240x128xf32, #tpu.memory_space<vmem_shared>>
        tpu.enqueue_indirect_dma source(%arg7 : memref<128x128xf32, #tpu.memory_space<vmem>>) target(%dma_start3A_16 : memref<10240x128xf32, #tpu.memory_space<vmem_shared>>) offsets(%dma_start3A_13 : memref<128xi32, #tpu.memory_space<vmem>>) semaphore(%run_scoped3A : memref<!tpu.dma_semaphore, #tpu.memory_space<semaphore_mem>>) {add = true}
        %dma_wait3A = arith.constant 0 : i32
        %dma_wait3A_17 = tpu.memref_slice %arg6[%scan3A_11, %dma_wait3A] : memref<40x128xi32, #tpu.memory_space<vmem>> -> memref<1x128xi32, #tpu.memory_space<vmem>>
        %dma_wait3A_18 = tpu.memref_squeeze %dma_wait3A_17 : memref<1x128xi32, #tpu.memory_space<vmem>> -> memref<128xi32, #tpu.memory_space<vmem>>
        %dma_wait3A_19 = arith.constant 0 : i32
        %dma_wait3A_20 = arith.constant 0 : i32
        %dma_wait3A_21 = tpu.memref_slice %arg8[%dma_wait3A_19, %dma_wait3A_20] : memref<10240x128xf32, #tpu.memory_space<vmem_shared>> -> memref<10240x128xf32, #tpu.memory_space<vmem_shared>>
        tpu.wait_indirect_dma semaphore(%run_scoped3A : memref<!tpu.dma_semaphore, #tpu.memory_space<semaphore_mem>>) src(%arg7 : memref<128x128xf32, #tpu.memory_space<vmem>>) dst(%dma_wait3A_21 : memref<10240x128xf32, #tpu.memory_space<vmem_shared>>)
        tpu.yield
      }) : () -> ()
    }
    %scan3A_7 = arith.constant 40 : i32
    %barrier3A_8 = arith.constant 0 : index
    tpu.barrier barrier_id(%barrier3A_8)
    %eq3A = arith.constant 0 : i32
    %eq3A_9 = arith.cmpi eq, %arg1, %eq3A : i32
    %convert_element_type3A = arith.extui %eq3A_9 : i1 to i32
    %cond3A = arith.constant 0 : i32
    %cond3A_10 = arith.cmpi ne, %convert_element_type3A, %cond3A : i32
    scf.if %cond3A_10 {
      "tpu.region"() ({
        %run_scoped3A = tpu.sem_alloc : memref<!tpu.dma_semaphore, #tpu.memory_space<semaphore_mem>>
        %dma_start3A = arith.constant 0 : i32
        %dma_start3A_11 = arith.constant 0 : i32
        %dma_start3A_12 = tpu.memref_slice %arg5[%arg0, %dma_start3A, %dma_start3A_11] : memref<2x10000x128xf32, #tpu.memory_space<hbm>> -> memref<1x10000x128xf32, #tpu.memory_space<hbm>>
        %dma_start3A_13 = tpu.memref_squeeze %dma_start3A_12 : memref<1x10000x128xf32, #tpu.memory_space<hbm>> -> memref<10000x128xf32, #tpu.memory_space<hbm>>
        %dma_start3A_14 = arith.constant 0 : i32
        %dma_start3A_15 = arith.constant 0 : i32
        %dma_start3A_16 = tpu.memref_slice %arg8[%dma_start3A_14, %dma_start3A_15] : memref<10240x128xf32, #tpu.memory_space<vmem_shared>> -> memref<10000x128xf32, #tpu.memory_space<vmem_shared>>
        tpu.enqueue_dma source(%dma_start3A_16 : memref<10000x128xf32, #tpu.memory_space<vmem_shared>>) target(%dma_start3A_13 : memref<10000x128xf32, #tpu.memory_space<hbm>>) target_semaphore(%run_scoped3A : memref<!tpu.dma_semaphore, #tpu.memory_space<semaphore_mem>>)
        %dma_wait3A = arith.constant 0 : i32
        %dma_wait3A_17 = arith.constant 0 : i32
        %dma_wait3A_18 = tpu.memref_slice %arg5[%arg0, %dma_wait3A, %dma_wait3A_17] : memref<2x10000x128xf32, #tpu.memory_space<hbm>> -> memref<1x10000x128xf32, #tpu.memory_space<hbm>>
        %dma_wait3A_19 = tpu.memref_squeeze %dma_wait3A_18 : memref<1x10000x128xf32, #tpu.memory_space<hbm>> -> memref<10000x128xf32, #tpu.memory_space<hbm>>
        %dma_wait3A_20 = arith.constant 0 : i32
        %dma_wait3A_21 = arith.constant 0 : i32
        %dma_wait3A_22 = tpu.memref_slice %arg8[%dma_wait3A_20, %dma_wait3A_21] : memref<10240x128xf32, #tpu.memory_space<vmem_shared>> -> memref<10000x128xf32, #tpu.memory_space<vmem_shared>>
        tpu.wait_dma2 semaphore(%run_scoped3A : memref<!tpu.dma_semaphore, #tpu.memory_space<semaphore_mem>>) src(%dma_wait3A_22 : memref<10000x128xf32, #tpu.memory_space<vmem_shared>>) dst(%dma_wait3A_19 : memref<10000x128xf32, #tpu.memory_space<hbm>>)
        tpu.yield
      }) : () -> ()
    } else {
    }
    return
  }
}

#map = affine_map<(d0, d1) -> (0, 0)>
#map1 = affine_map<(d0, d1) -> (0, 0, 0, 0)>
module attributes {stable_mosaic.version = 14 : i64} {
  func.func @_agg_body(%arg0: i32, %arg1: i32, %arg2: memref<10240x128xf32, #tpu.memory_space<hbm>>, %arg3: memref<10240x128xf32, #tpu.memory_space<hbm>>, %arg4: memref<16x2x105x96xi32, #tpu.memory_space<hbm>>, %arg5: memref<10240x128xf32, #tpu.memory_space<hbm>>, %arg6: memref<10240x128xf32, #tpu.memory_space<hbm>>, %arg7: memref<2x105x96xi32, #tpu.memory_space<vmem>>, %arg8: memref<96x128xf32, #tpu.memory_space<vmem>>, %arg9: memref<10240x128xf32, #tpu.memory_space<vmem_shared>>, %arg10: memref<!tpu.dma_semaphore, #tpu.memory_space<semaphore_mem>>) attributes {dimension_semantics = [#tpu.dimension_semantics<core_parallel>, #tpu.dimension_semantics<subcore_parallel>], iteration_bounds = array<i64: 2, 16>, scalar_prefetch = 0 : i64, scratch_operands = 4 : i64, tpu.core_type = #tpu.core_type<sc_vector_subcore>, window_params = [{transform_indices = #map}, {transform_indices = #map}, {transform_indices = #map1}, {transform_indices = #map}, {transform_indices = #map}]} {
    "tpu.region"() ({
      %run_scoped3A = tpu.sem_alloc : memref<!tpu.dma_semaphore, #tpu.memory_space<semaphore_mem>>
      %dma_start3A = arith.constant 0 : i32
      %dma_start3A_11 = arith.constant 0 : i32
      %dma_start3A_12 = arith.constant 0 : i32
      %dma_start3A_13 = tpu.memref_slice %arg4[%arg1, %dma_start3A, %dma_start3A_11, %dma_start3A_12] : memref<16x2x105x96xi32, #tpu.memory_space<hbm>> -> memref<1x2x105x96xi32, #tpu.memory_space<hbm>>
      %dma_start3A_14 = tpu.memref_squeeze %dma_start3A_13 : memref<1x2x105x96xi32, #tpu.memory_space<hbm>> -> memref<2x105x96xi32, #tpu.memory_space<hbm>>
      %dma_start3A_15 = arith.constant 0 : i32
      %dma_start3A_16 = arith.constant 0 : i32
      %dma_start3A_17 = arith.constant 0 : i32
      %dma_start3A_18 = tpu.memref_slice %arg4[%arg1, %dma_start3A_15, %dma_start3A_16, %dma_start3A_17] : memref<16x2x105x96xi32, #tpu.memory_space<hbm>> -> memref<1x2x105x96xi32, #tpu.memory_space<hbm>>
      %dma_start3A_19 = tpu.memref_squeeze %dma_start3A_18 : memref<1x2x105x96xi32, #tpu.memory_space<hbm>> -> memref<2x105x96xi32, #tpu.memory_space<hbm>>
      tpu.enqueue_dma source(%dma_start3A_19 : memref<2x105x96xi32, #tpu.memory_space<hbm>>) target(%arg7 : memref<2x105x96xi32, #tpu.memory_space<vmem>>) target_semaphore(%run_scoped3A : memref<!tpu.dma_semaphore, #tpu.memory_space<semaphore_mem>>)
      %dma_wait3A = arith.constant 0 : i32
      %dma_wait3A_20 = arith.constant 0 : i32
      %dma_wait3A_21 = arith.constant 0 : i32
      %dma_wait3A_22 = tpu.memref_slice %arg4[%arg1, %dma_wait3A, %dma_wait3A_20, %dma_wait3A_21] : memref<16x2x105x96xi32, #tpu.memory_space<hbm>> -> memref<1x2x105x96xi32, #tpu.memory_space<hbm>>
      %dma_wait3A_23 = tpu.memref_squeeze %dma_wait3A_22 : memref<1x2x105x96xi32, #tpu.memory_space<hbm>> -> memref<2x105x96xi32, #tpu.memory_space<hbm>>
      %dma_wait3A_24 = arith.constant 0 : i32
      %dma_wait3A_25 = arith.constant 0 : i32
      %dma_wait3A_26 = arith.constant 0 : i32
      %dma_wait3A_27 = tpu.memref_slice %arg4[%arg1, %dma_wait3A_24, %dma_wait3A_25, %dma_wait3A_26] : memref<16x2x105x96xi32, #tpu.memory_space<hbm>> -> memref<1x2x105x96xi32, #tpu.memory_space<hbm>>
      %dma_wait3A_28 = tpu.memref_squeeze %dma_wait3A_27 : memref<1x2x105x96xi32, #tpu.memory_space<hbm>> -> memref<2x105x96xi32, #tpu.memory_space<hbm>>
      tpu.wait_dma2 semaphore(%run_scoped3A : memref<!tpu.dma_semaphore, #tpu.memory_space<semaphore_mem>>) src(%dma_wait3A_28 : memref<2x105x96xi32, #tpu.memory_space<hbm>>) dst(%arg7 : memref<2x105x96xi32, #tpu.memory_space<vmem>>)
      tpu.yield
    }) : () -> ()
    %eq3A = arith.constant 0 : i32
    %eq3A_0 = arith.cmpi eq, %arg0, %eq3A : i32
    %convert_element_type3A = arith.extui %eq3A_0 : i1 to i32
    %cond3A = arith.constant 0 : i32
    %cond3A_1 = arith.constant 1 : i32
    %cond3A_2 = arith.constant 0 : i32
    %cond3A_3 = arith.cmpi ne, %convert_element_type3A, %cond3A_2 : i32
    scf.if %cond3A_3 {
      %mul3A = arith.constant 640 : i32
      %mul3A_11 = arith.muli %arg1, %mul3A : i32
      "tpu.region"() ({
        %run_scoped3A = tpu.sem_alloc : memref<!tpu.dma_semaphore, #tpu.memory_space<semaphore_mem>>
        %dma_start3A = arith.constant 0 : i32
        %dma_start3A_18 = tpu.memref_slice %arg9[%mul3A_11, %dma_start3A] : memref<10240x128xf32, #tpu.memory_space<vmem_shared>> -> memref<640x128xf32, #tpu.memory_space<vmem_shared>>
        %dma_start3A_19 = arith.constant 0 : i32
        %dma_start3A_20 = tpu.memref_slice %arg2[%mul3A_11, %dma_start3A_19] : memref<10240x128xf32, #tpu.memory_space<hbm>> -> memref<640x128xf32, #tpu.memory_space<hbm>>
        tpu.enqueue_dma source(%dma_start3A_20 : memref<640x128xf32, #tpu.memory_space<hbm>>) target(%dma_start3A_18 : memref<640x128xf32, #tpu.memory_space<vmem_shared>>) target_semaphore(%run_scoped3A : memref<!tpu.dma_semaphore, #tpu.memory_space<semaphore_mem>>)
        %dma_wait3A = arith.constant 0 : i32
        %dma_wait3A_21 = tpu.memref_slice %arg9[%mul3A_11, %dma_wait3A] : memref<10240x128xf32, #tpu.memory_space<vmem_shared>> -> memref<640x128xf32, #tpu.memory_space<vmem_shared>>
        %dma_wait3A_22 = arith.constant 0 : i32
        %dma_wait3A_23 = tpu.memref_slice %arg2[%mul3A_11, %dma_wait3A_22] : memref<10240x128xf32, #tpu.memory_space<hbm>> -> memref<640x128xf32, #tpu.memory_space<hbm>>
        tpu.wait_dma2 semaphore(%run_scoped3A : memref<!tpu.dma_semaphore, #tpu.memory_space<semaphore_mem>>) src(%dma_wait3A_23 : memref<640x128xf32, #tpu.memory_space<hbm>>) dst(%dma_wait3A_21 : memref<640x128xf32, #tpu.memory_space<vmem_shared>>)
        tpu.yield
      }) : () -> ()
      %barrier3A = arith.constant 0 : index
      tpu.barrier barrier_id(%barrier3A)
      %scan3A = arith.constant 0 : i32
      %scan3A_12 = arith.constant 0 : i32
      %scan3A_13 = arith.constant 105 : i32
      %scan3A_14 = arith.addi %scan3A_12, %scan3A_13 : i32
      %scan3A_15 = arith.constant 1 : i32
      scf.for %scan3A_18 = %scan3A_12 to %scan3A_14 step %scan3A_15  : i32 {
        %dma_start3A = arith.constant 0 : i32
        %dma_start3A_19 = arith.constant 0 : i32
        %dma_start3A_20 = tpu.memref_slice %arg7[%cond3A, %dma_start3A, %dma_start3A_19] : memref<2x105x96xi32, #tpu.memory_space<vmem>> -> memref<1x105x96xi32, #tpu.memory_space<vmem>>
        %dma_start3A_21 = tpu.memref_squeeze %dma_start3A_20 : memref<1x105x96xi32, #tpu.memory_space<vmem>> -> memref<105x96xi32, #tpu.memory_space<vmem>>
        %dma_start3A_22 = arith.constant 0 : i32
        %dma_start3A_23 = tpu.memref_slice %dma_start3A_21[%scan3A_18, %dma_start3A_22] : memref<105x96xi32, #tpu.memory_space<vmem>> -> memref<1x96xi32, #tpu.memory_space<vmem>>
        %dma_start3A_24 = tpu.memref_squeeze %dma_start3A_23 : memref<1x96xi32, #tpu.memory_space<vmem>> -> memref<96xi32, #tpu.memory_space<vmem>>
        %dma_start3A_25 = arith.constant 0 : i32
        %dma_start3A_26 = arith.constant 0 : i32
        %dma_start3A_27 = tpu.memref_slice %arg2[%dma_start3A_25, %dma_start3A_26] : memref<10240x128xf32, #tpu.memory_space<hbm>> -> memref<10240x128xf32, #tpu.memory_space<hbm>>
        tpu.enqueue_indirect_dma source(%dma_start3A_27 : memref<10240x128xf32, #tpu.memory_space<hbm>>) target(%arg8 : memref<96x128xf32, #tpu.memory_space<vmem>>) offsets(%dma_start3A_24 : memref<96xi32, #tpu.memory_space<vmem>>) semaphore(%arg10 : memref<!tpu.dma_semaphore, #tpu.memory_space<semaphore_mem>>)
        %dma_wait3A = arith.constant 0 : i32
        %dma_wait3A_28 = arith.constant 0 : i32
        %dma_wait3A_29 = tpu.memref_slice %arg7[%cond3A, %dma_wait3A, %dma_wait3A_28] : memref<2x105x96xi32, #tpu.memory_space<vmem>> -> memref<1x105x96xi32, #tpu.memory_space<vmem>>
        %dma_wait3A_30 = tpu.memref_squeeze %dma_wait3A_29 : memref<1x105x96xi32, #tpu.memory_space<vmem>> -> memref<105x96xi32, #tpu.memory_space<vmem>>
        %dma_wait3A_31 = arith.constant 0 : i32
        %dma_wait3A_32 = tpu.memref_slice %dma_wait3A_30[%scan3A_18, %dma_wait3A_31] : memref<105x96xi32, #tpu.memory_space<vmem>> -> memref<1x96xi32, #tpu.memory_space<vmem>>
        %dma_wait3A_33 = tpu.memref_squeeze %dma_wait3A_32 : memref<1x96xi32, #tpu.memory_space<vmem>> -> memref<96xi32, #tpu.memory_space<vmem>>
        %dma_wait3A_34 = arith.constant 0 : i32
        %dma_wait3A_35 = arith.constant 0 : i32
        %dma_wait3A_36 = tpu.memref_slice %arg2[%dma_wait3A_34, %dma_wait3A_35] : memref<10240x128xf32, #tpu.memory_space<hbm>> -> memref<10240x128xf32, #tpu.memory_space<hbm>>
        tpu.wait_indirect_dma semaphore(%arg10 : memref<!tpu.dma_semaphore, #tpu.memory_space<semaphore_mem>>) src(%dma_wait3A_36 : memref<10240x128xf32, #tpu.memory_space<hbm>>) dst(%arg8 : memref<96x128xf32, #tpu.memory_space<vmem>>)
        "tpu.region"() ({
          %run_scoped3A = tpu.sem_alloc : memref<!tpu.dma_semaphore, #tpu.memory_space<semaphore_mem>>
          %dma_start3A_37 = arith.constant 0 : i32
          %dma_start3A_38 = arith.constant 0 : i32
          %dma_start3A_39 = tpu.memref_slice %arg7[%cond3A_1, %dma_start3A_37, %dma_start3A_38] : memref<2x105x96xi32, #tpu.memory_space<vmem>> -> memref<1x105x96xi32, #tpu.memory_space<vmem>>
          %dma_start3A_40 = tpu.memref_squeeze %dma_start3A_39 : memref<1x105x96xi32, #tpu.memory_space<vmem>> -> memref<105x96xi32, #tpu.memory_space<vmem>>
          %dma_start3A_41 = arith.constant 0 : i32
          %dma_start3A_42 = tpu.memref_slice %dma_start3A_40[%scan3A_18, %dma_start3A_41] : memref<105x96xi32, #tpu.memory_space<vmem>> -> memref<1x96xi32, #tpu.memory_space<vmem>>
          %dma_start3A_43 = tpu.memref_squeeze %dma_start3A_42 : memref<1x96xi32, #tpu.memory_space<vmem>> -> memref<96xi32, #tpu.memory_space<vmem>>
          %dma_start3A_44 = arith.constant 0 : i32
          %dma_start3A_45 = arith.constant 0 : i32
          %dma_start3A_46 = tpu.memref_slice %arg9[%dma_start3A_44, %dma_start3A_45] : memref<10240x128xf32, #tpu.memory_space<vmem_shared>> -> memref<10240x128xf32, #tpu.memory_space<vmem_shared>>
          tpu.enqueue_indirect_dma source(%arg8 : memref<96x128xf32, #tpu.memory_space<vmem>>) target(%dma_start3A_46 : memref<10240x128xf32, #tpu.memory_space<vmem_shared>>) offsets(%dma_start3A_43 : memref<96xi32, #tpu.memory_space<vmem>>) semaphore(%run_scoped3A : memref<!tpu.dma_semaphore, #tpu.memory_space<semaphore_mem>>) {add = true}
          %dma_wait3A_47 = arith.constant 0 : i32
          %dma_wait3A_48 = arith.constant 0 : i32
          %dma_wait3A_49 = tpu.memref_slice %arg7[%cond3A_1, %dma_wait3A_47, %dma_wait3A_48] : memref<2x105x96xi32, #tpu.memory_space<vmem>> -> memref<1x105x96xi32, #tpu.memory_space<vmem>>
          %dma_wait3A_50 = tpu.memref_squeeze %dma_wait3A_49 : memref<1x105x96xi32, #tpu.memory_space<vmem>> -> memref<105x96xi32, #tpu.memory_space<vmem>>
          %dma_wait3A_51 = arith.constant 0 : i32
          %dma_wait3A_52 = tpu.memref_slice %dma_wait3A_50[%scan3A_18, %dma_wait3A_51] : memref<105x96xi32, #tpu.memory_space<vmem>> -> memref<1x96xi32, #tpu.memory_space<vmem>>
          %dma_wait3A_53 = tpu.memref_squeeze %dma_wait3A_52 : memref<1x96xi32, #tpu.memory_space<vmem>> -> memref<96xi32, #tpu.memory_space<vmem>>
          %dma_wait3A_54 = arith.constant 0 : i32
          %dma_wait3A_55 = arith.constant 0 : i32
          %dma_wait3A_56 = tpu.memref_slice %arg9[%dma_wait3A_54, %dma_wait3A_55] : memref<10240x128xf32, #tpu.memory_space<vmem_shared>> -> memref<10240x128xf32, #tpu.memory_space<vmem_shared>>
          tpu.wait_indirect_dma semaphore(%run_scoped3A : memref<!tpu.dma_semaphore, #tpu.memory_space<semaphore_mem>>) src(%arg8 : memref<96x128xf32, #tpu.memory_space<vmem>>) dst(%dma_wait3A_56 : memref<10240x128xf32, #tpu.memory_space<vmem_shared>>)
          tpu.yield
        }) : () -> ()
      }
      %scan3A_16 = arith.constant 105 : i32
      %barrier3A_17 = arith.constant 0 : index
      tpu.barrier barrier_id(%barrier3A_17)
      "tpu.region"() ({
        %run_scoped3A = tpu.sem_alloc : memref<!tpu.dma_semaphore, #tpu.memory_space<semaphore_mem>>
        %dma_start3A = arith.constant 0 : i32
        %dma_start3A_18 = tpu.memref_slice %arg5[%mul3A_11, %dma_start3A] : memref<10240x128xf32, #tpu.memory_space<hbm>> -> memref<640x128xf32, #tpu.memory_space<hbm>>
        %dma_start3A_19 = arith.constant 0 : i32
        %dma_start3A_20 = tpu.memref_slice %arg9[%mul3A_11, %dma_start3A_19] : memref<10240x128xf32, #tpu.memory_space<vmem_shared>> -> memref<640x128xf32, #tpu.memory_space<vmem_shared>>
        tpu.enqueue_dma source(%dma_start3A_20 : memref<640x128xf32, #tpu.memory_space<vmem_shared>>) target(%dma_start3A_18 : memref<640x128xf32, #tpu.memory_space<hbm>>) target_semaphore(%run_scoped3A : memref<!tpu.dma_semaphore, #tpu.memory_space<semaphore_mem>>)
        %dma_wait3A = arith.constant 0 : i32
        %dma_wait3A_21 = tpu.memref_slice %arg5[%mul3A_11, %dma_wait3A] : memref<10240x128xf32, #tpu.memory_space<hbm>> -> memref<640x128xf32, #tpu.memory_space<hbm>>
        %dma_wait3A_22 = arith.constant 0 : i32
        %dma_wait3A_23 = tpu.memref_slice %arg9[%mul3A_11, %dma_wait3A_22] : memref<10240x128xf32, #tpu.memory_space<vmem_shared>> -> memref<640x128xf32, #tpu.memory_space<vmem_shared>>
        tpu.wait_dma2 semaphore(%run_scoped3A : memref<!tpu.dma_semaphore, #tpu.memory_space<semaphore_mem>>) src(%dma_wait3A_23 : memref<640x128xf32, #tpu.memory_space<vmem_shared>>) dst(%dma_wait3A_21 : memref<640x128xf32, #tpu.memory_space<hbm>>)
        tpu.yield
      }) : () -> ()
    } else {
    }
    %eq3A_4 = arith.constant 1 : i32
    %eq3A_5 = arith.cmpi eq, %arg0, %eq3A_4 : i32
    %convert_element_type3A_6 = arith.extui %eq3A_5 : i1 to i32
    %cond3A_7 = arith.constant 0 : i32
    %cond3A_8 = arith.constant 1 : i32
    %cond3A_9 = arith.constant 0 : i32
    %cond3A_10 = arith.cmpi ne, %convert_element_type3A_6, %cond3A_9 : i32
    scf.if %cond3A_10 {
      %mul3A = arith.constant 640 : i32
      %mul3A_11 = arith.muli %arg1, %mul3A : i32
      "tpu.region"() ({
        %run_scoped3A = tpu.sem_alloc : memref<!tpu.dma_semaphore, #tpu.memory_space<semaphore_mem>>
        %dma_start3A = arith.constant 0 : i32
        %dma_start3A_18 = tpu.memref_slice %arg9[%mul3A_11, %dma_start3A] : memref<10240x128xf32, #tpu.memory_space<vmem_shared>> -> memref<640x128xf32, #tpu.memory_space<vmem_shared>>
        %dma_start3A_19 = arith.constant 0 : i32
        %dma_start3A_20 = tpu.memref_slice %arg3[%mul3A_11, %dma_start3A_19] : memref<10240x128xf32, #tpu.memory_space<hbm>> -> memref<640x128xf32, #tpu.memory_space<hbm>>
        tpu.enqueue_dma source(%dma_start3A_20 : memref<640x128xf32, #tpu.memory_space<hbm>>) target(%dma_start3A_18 : memref<640x128xf32, #tpu.memory_space<vmem_shared>>) target_semaphore(%run_scoped3A : memref<!tpu.dma_semaphore, #tpu.memory_space<semaphore_mem>>)
        %dma_wait3A = arith.constant 0 : i32
        %dma_wait3A_21 = tpu.memref_slice %arg9[%mul3A_11, %dma_wait3A] : memref<10240x128xf32, #tpu.memory_space<vmem_shared>> -> memref<640x128xf32, #tpu.memory_space<vmem_shared>>
        %dma_wait3A_22 = arith.constant 0 : i32
        %dma_wait3A_23 = tpu.memref_slice %arg3[%mul3A_11, %dma_wait3A_22] : memref<10240x128xf32, #tpu.memory_space<hbm>> -> memref<640x128xf32, #tpu.memory_space<hbm>>
        tpu.wait_dma2 semaphore(%run_scoped3A : memref<!tpu.dma_semaphore, #tpu.memory_space<semaphore_mem>>) src(%dma_wait3A_23 : memref<640x128xf32, #tpu.memory_space<hbm>>) dst(%dma_wait3A_21 : memref<640x128xf32, #tpu.memory_space<vmem_shared>>)
        tpu.yield
      }) : () -> ()
      %barrier3A = arith.constant 0 : index
      tpu.barrier barrier_id(%barrier3A)
      %scan3A = arith.constant 0 : i32
      %scan3A_12 = arith.constant 0 : i32
      %scan3A_13 = arith.constant 105 : i32
      %scan3A_14 = arith.addi %scan3A_12, %scan3A_13 : i32
      %scan3A_15 = arith.constant 1 : i32
      scf.for %scan3A_18 = %scan3A_12 to %scan3A_14 step %scan3A_15  : i32 {
        %dma_start3A = arith.constant 0 : i32
        %dma_start3A_19 = arith.constant 0 : i32
        %dma_start3A_20 = tpu.memref_slice %arg7[%cond3A_7, %dma_start3A, %dma_start3A_19] : memref<2x105x96xi32, #tpu.memory_space<vmem>> -> memref<1x105x96xi32, #tpu.memory_space<vmem>>
        %dma_start3A_21 = tpu.memref_squeeze %dma_start3A_20 : memref<1x105x96xi32, #tpu.memory_space<vmem>> -> memref<105x96xi32, #tpu.memory_space<vmem>>
        %dma_start3A_22 = arith.constant 0 : i32
        %dma_start3A_23 = tpu.memref_slice %dma_start3A_21[%scan3A_18, %dma_start3A_22] : memref<105x96xi32, #tpu.memory_space<vmem>> -> memref<1x96xi32, #tpu.memory_space<vmem>>
        %dma_start3A_24 = tpu.memref_squeeze %dma_start3A_23 : memref<1x96xi32, #tpu.memory_space<vmem>> -> memref<96xi32, #tpu.memory_space<vmem>>
        %dma_start3A_25 = arith.constant 0 : i32
        %dma_start3A_26 = arith.constant 0 : i32
        %dma_start3A_27 = tpu.memref_slice %arg3[%dma_start3A_25, %dma_start3A_26] : memref<10240x128xf32, #tpu.memory_space<hbm>> -> memref<10240x128xf32, #tpu.memory_space<hbm>>
        tpu.enqueue_indirect_dma source(%dma_start3A_27 : memref<10240x128xf32, #tpu.memory_space<hbm>>) target(%arg8 : memref<96x128xf32, #tpu.memory_space<vmem>>) offsets(%dma_start3A_24 : memref<96xi32, #tpu.memory_space<vmem>>) semaphore(%arg10 : memref<!tpu.dma_semaphore, #tpu.memory_space<semaphore_mem>>)
        %dma_wait3A = arith.constant 0 : i32
        %dma_wait3A_28 = arith.constant 0 : i32
        %dma_wait3A_29 = tpu.memref_slice %arg7[%cond3A_7, %dma_wait3A, %dma_wait3A_28] : memref<2x105x96xi32, #tpu.memory_space<vmem>> -> memref<1x105x96xi32, #tpu.memory_space<vmem>>
        %dma_wait3A_30 = tpu.memref_squeeze %dma_wait3A_29 : memref<1x105x96xi32, #tpu.memory_space<vmem>> -> memref<105x96xi32, #tpu.memory_space<vmem>>
        %dma_wait3A_31 = arith.constant 0 : i32
        %dma_wait3A_32 = tpu.memref_slice %dma_wait3A_30[%scan3A_18, %dma_wait3A_31] : memref<105x96xi32, #tpu.memory_space<vmem>> -> memref<1x96xi32, #tpu.memory_space<vmem>>
        %dma_wait3A_33 = tpu.memref_squeeze %dma_wait3A_32 : memref<1x96xi32, #tpu.memory_space<vmem>> -> memref<96xi32, #tpu.memory_space<vmem>>
        %dma_wait3A_34 = arith.constant 0 : i32
        %dma_wait3A_35 = arith.constant 0 : i32
        %dma_wait3A_36 = tpu.memref_slice %arg3[%dma_wait3A_34, %dma_wait3A_35] : memref<10240x128xf32, #tpu.memory_space<hbm>> -> memref<10240x128xf32, #tpu.memory_space<hbm>>
        tpu.wait_indirect_dma semaphore(%arg10 : memref<!tpu.dma_semaphore, #tpu.memory_space<semaphore_mem>>) src(%dma_wait3A_36 : memref<10240x128xf32, #tpu.memory_space<hbm>>) dst(%arg8 : memref<96x128xf32, #tpu.memory_space<vmem>>)
        "tpu.region"() ({
          %run_scoped3A = tpu.sem_alloc : memref<!tpu.dma_semaphore, #tpu.memory_space<semaphore_mem>>
          %dma_start3A_37 = arith.constant 0 : i32
          %dma_start3A_38 = arith.constant 0 : i32
          %dma_start3A_39 = tpu.memref_slice %arg7[%cond3A_8, %dma_start3A_37, %dma_start3A_38] : memref<2x105x96xi32, #tpu.memory_space<vmem>> -> memref<1x105x96xi32, #tpu.memory_space<vmem>>
          %dma_start3A_40 = tpu.memref_squeeze %dma_start3A_39 : memref<1x105x96xi32, #tpu.memory_space<vmem>> -> memref<105x96xi32, #tpu.memory_space<vmem>>
          %dma_start3A_41 = arith.constant 0 : i32
          %dma_start3A_42 = tpu.memref_slice %dma_start3A_40[%scan3A_18, %dma_start3A_41] : memref<105x96xi32, #tpu.memory_space<vmem>> -> memref<1x96xi32, #tpu.memory_space<vmem>>
          %dma_start3A_43 = tpu.memref_squeeze %dma_start3A_42 : memref<1x96xi32, #tpu.memory_space<vmem>> -> memref<96xi32, #tpu.memory_space<vmem>>
          %dma_start3A_44 = arith.constant 0 : i32
          %dma_start3A_45 = arith.constant 0 : i32
          %dma_start3A_46 = tpu.memref_slice %arg9[%dma_start3A_44, %dma_start3A_45] : memref<10240x128xf32, #tpu.memory_space<vmem_shared>> -> memref<10240x128xf32, #tpu.memory_space<vmem_shared>>
          tpu.enqueue_indirect_dma source(%arg8 : memref<96x128xf32, #tpu.memory_space<vmem>>) target(%dma_start3A_46 : memref<10240x128xf32, #tpu.memory_space<vmem_shared>>) offsets(%dma_start3A_43 : memref<96xi32, #tpu.memory_space<vmem>>) semaphore(%run_scoped3A : memref<!tpu.dma_semaphore, #tpu.memory_space<semaphore_mem>>) {add = true}
          %dma_wait3A_47 = arith.constant 0 : i32
          %dma_wait3A_48 = arith.constant 0 : i32
          %dma_wait3A_49 = tpu.memref_slice %arg7[%cond3A_8, %dma_wait3A_47, %dma_wait3A_48] : memref<2x105x96xi32, #tpu.memory_space<vmem>> -> memref<1x105x96xi32, #tpu.memory_space<vmem>>
          %dma_wait3A_50 = tpu.memref_squeeze %dma_wait3A_49 : memref<1x105x96xi32, #tpu.memory_space<vmem>> -> memref<105x96xi32, #tpu.memory_space<vmem>>
          %dma_wait3A_51 = arith.constant 0 : i32
          %dma_wait3A_52 = tpu.memref_slice %dma_wait3A_50[%scan3A_18, %dma_wait3A_51] : memref<105x96xi32, #tpu.memory_space<vmem>> -> memref<1x96xi32, #tpu.memory_space<vmem>>
          %dma_wait3A_53 = tpu.memref_squeeze %dma_wait3A_52 : memref<1x96xi32, #tpu.memory_space<vmem>> -> memref<96xi32, #tpu.memory_space<vmem>>
          %dma_wait3A_54 = arith.constant 0 : i32
          %dma_wait3A_55 = arith.constant 0 : i32
          %dma_wait3A_56 = tpu.memref_slice %arg9[%dma_wait3A_54, %dma_wait3A_55] : memref<10240x128xf32, #tpu.memory_space<vmem_shared>> -> memref<10240x128xf32, #tpu.memory_space<vmem_shared>>
          tpu.wait_indirect_dma semaphore(%run_scoped3A : memref<!tpu.dma_semaphore, #tpu.memory_space<semaphore_mem>>) src(%arg8 : memref<96x128xf32, #tpu.memory_space<vmem>>) dst(%dma_wait3A_56 : memref<10240x128xf32, #tpu.memory_space<vmem_shared>>)
          tpu.yield
        }) : () -> ()
      }
      %scan3A_16 = arith.constant 105 : i32
      %barrier3A_17 = arith.constant 0 : index
      tpu.barrier barrier_id(%barrier3A_17)
      "tpu.region"() ({
        %run_scoped3A = tpu.sem_alloc : memref<!tpu.dma_semaphore, #tpu.memory_space<semaphore_mem>>
        %dma_start3A = arith.constant 0 : i32
        %dma_start3A_18 = tpu.memref_slice %arg6[%mul3A_11, %dma_start3A] : memref<10240x128xf32, #tpu.memory_space<hbm>> -> memref<640x128xf32, #tpu.memory_space<hbm>>
        %dma_start3A_19 = arith.constant 0 : i32
        %dma_start3A_20 = tpu.memref_slice %arg9[%mul3A_11, %dma_start3A_19] : memref<10240x128xf32, #tpu.memory_space<vmem_shared>> -> memref<640x128xf32, #tpu.memory_space<vmem_shared>>
        tpu.enqueue_dma source(%dma_start3A_20 : memref<640x128xf32, #tpu.memory_space<vmem_shared>>) target(%dma_start3A_18 : memref<640x128xf32, #tpu.memory_space<hbm>>) target_semaphore(%run_scoped3A : memref<!tpu.dma_semaphore, #tpu.memory_space<semaphore_mem>>)
        %dma_wait3A = arith.constant 0 : i32
        %dma_wait3A_21 = tpu.memref_slice %arg6[%mul3A_11, %dma_wait3A] : memref<10240x128xf32, #tpu.memory_space<hbm>> -> memref<640x128xf32, #tpu.memory_space<hbm>>
        %dma_wait3A_22 = arith.constant 0 : i32
        %dma_wait3A_23 = tpu.memref_slice %arg9[%mul3A_11, %dma_wait3A_22] : memref<10240x128xf32, #tpu.memory_space<vmem_shared>> -> memref<640x128xf32, #tpu.memory_space<vmem_shared>>
        tpu.wait_dma2 semaphore(%run_scoped3A : memref<!tpu.dma_semaphore, #tpu.memory_space<semaphore_mem>>) src(%dma_wait3A_23 : memref<640x128xf32, #tpu.memory_space<vmem_shared>>) dst(%dma_wait3A_21 : memref<640x128xf32, #tpu.memory_space<hbm>>)
        tpu.yield
      }) : () -> ()
    } else {
    }
    return
  }
}

#map = affine_map<(d0, d1) -> (0, 0)>
#map1 = affine_map<(d0, d1) -> (0, 0, 0, 0)>
module attributes {stable_mosaic.version = 14 : i64} {
  func.func @_agg_body(%arg0: i32, %arg1: i32, %arg2: memref<10240x128xf32, #tpu.memory_space<hbm>>, %arg3: memref<10240x128xf32, #tpu.memory_space<hbm>>, %arg4: memref<16x2x105x96xi32, #tpu.memory_space<hbm>>, %arg5: memref<10240x128xf32, #tpu.memory_space<hbm>>, %arg6: memref<10240x128xf32, #tpu.memory_space<hbm>>, %arg7: memref<2x105x96xi32, #tpu.memory_space<vmem>>, %arg8: memref<96x128xf32, #tpu.memory_space<vmem>>, %arg9: memref<10240x128xf32, #tpu.memory_space<vmem_shared>>, %arg10: memref<!tpu.dma_semaphore, #tpu.memory_space<semaphore_mem>>) attributes {dimension_semantics = [#tpu.dimension_semantics<core_parallel>, #tpu.dimension_semantics<subcore_parallel>], iteration_bounds = array<i64: 2, 16>, scalar_prefetch = 0 : i64, scratch_operands = 4 : i64, tpu.core_type = #tpu.core_type<sc_vector_subcore>, window_params = [{transform_indices = #map}, {transform_indices = #map}, {transform_indices = #map1}, {transform_indices = #map}, {transform_indices = #map}]} {
    "tpu.region"() ({
      %run_scoped3A = tpu.sem_alloc : memref<!tpu.dma_semaphore, #tpu.memory_space<semaphore_mem>>
      %dma_start3A = arith.constant 0 : i32
      %dma_start3A_11 = arith.constant 0 : i32
      %dma_start3A_12 = arith.constant 0 : i32
      %dma_start3A_13 = tpu.memref_slice %arg4[%arg1, %dma_start3A, %dma_start3A_11, %dma_start3A_12] : memref<16x2x105x96xi32, #tpu.memory_space<hbm>> -> memref<1x2x105x96xi32, #tpu.memory_space<hbm>>
      %dma_start3A_14 = tpu.memref_squeeze %dma_start3A_13 : memref<1x2x105x96xi32, #tpu.memory_space<hbm>> -> memref<2x105x96xi32, #tpu.memory_space<hbm>>
      %dma_start3A_15 = arith.constant 0 : i32
      %dma_start3A_16 = arith.constant 0 : i32
      %dma_start3A_17 = arith.constant 0 : i32
      %dma_start3A_18 = tpu.memref_slice %arg4[%arg1, %dma_start3A_15, %dma_start3A_16, %dma_start3A_17] : memref<16x2x105x96xi32, #tpu.memory_space<hbm>> -> memref<1x2x105x96xi32, #tpu.memory_space<hbm>>
      %dma_start3A_19 = tpu.memref_squeeze %dma_start3A_18 : memref<1x2x105x96xi32, #tpu.memory_space<hbm>> -> memref<2x105x96xi32, #tpu.memory_space<hbm>>
      tpu.enqueue_dma source(%dma_start3A_19 : memref<2x105x96xi32, #tpu.memory_space<hbm>>) target(%arg7 : memref<2x105x96xi32, #tpu.memory_space<vmem>>) target_semaphore(%run_scoped3A : memref<!tpu.dma_semaphore, #tpu.memory_space<semaphore_mem>>)
      %dma_wait3A = arith.constant 0 : i32
      %dma_wait3A_20 = arith.constant 0 : i32
      %dma_wait3A_21 = arith.constant 0 : i32
      %dma_wait3A_22 = tpu.memref_slice %arg4[%arg1, %dma_wait3A, %dma_wait3A_20, %dma_wait3A_21] : memref<16x2x105x96xi32, #tpu.memory_space<hbm>> -> memref<1x2x105x96xi32, #tpu.memory_space<hbm>>
      %dma_wait3A_23 = tpu.memref_squeeze %dma_wait3A_22 : memref<1x2x105x96xi32, #tpu.memory_space<hbm>> -> memref<2x105x96xi32, #tpu.memory_space<hbm>>
      %dma_wait3A_24 = arith.constant 0 : i32
      %dma_wait3A_25 = arith.constant 0 : i32
      %dma_wait3A_26 = arith.constant 0 : i32
      %dma_wait3A_27 = tpu.memref_slice %arg4[%arg1, %dma_wait3A_24, %dma_wait3A_25, %dma_wait3A_26] : memref<16x2x105x96xi32, #tpu.memory_space<hbm>> -> memref<1x2x105x96xi32, #tpu.memory_space<hbm>>
      %dma_wait3A_28 = tpu.memref_squeeze %dma_wait3A_27 : memref<1x2x105x96xi32, #tpu.memory_space<hbm>> -> memref<2x105x96xi32, #tpu.memory_space<hbm>>
      tpu.wait_dma2 semaphore(%run_scoped3A : memref<!tpu.dma_semaphore, #tpu.memory_space<semaphore_mem>>) src(%dma_wait3A_28 : memref<2x105x96xi32, #tpu.memory_space<hbm>>) dst(%arg7 : memref<2x105x96xi32, #tpu.memory_space<vmem>>)
      tpu.yield
    }) : () -> ()
    %eq3A = arith.constant 0 : i32
    %eq3A_0 = arith.cmpi eq, %arg0, %eq3A : i32
    %convert_element_type3A = arith.extui %eq3A_0 : i1 to i32
    %cond3A = arith.constant 0 : i32
    %cond3A_1 = arith.constant 1 : i32
    %cond3A_2 = arith.constant 0 : i32
    %cond3A_3 = arith.cmpi ne, %convert_element_type3A, %cond3A_2 : i32
    scf.if %cond3A_3 {
      %mul3A = arith.constant 640 : i32
      %mul3A_11 = arith.muli %arg1, %mul3A : i32
      "tpu.region"() ({
        %run_scoped3A = tpu.sem_alloc : memref<!tpu.dma_semaphore, #tpu.memory_space<semaphore_mem>>
        %dma_start3A = arith.constant 0 : i32
        %dma_start3A_18 = tpu.memref_slice %arg9[%mul3A_11, %dma_start3A] : memref<10240x128xf32, #tpu.memory_space<vmem_shared>> -> memref<640x128xf32, #tpu.memory_space<vmem_shared>>
        %dma_start3A_19 = arith.constant 0 : i32
        %dma_start3A_20 = tpu.memref_slice %arg2[%mul3A_11, %dma_start3A_19] : memref<10240x128xf32, #tpu.memory_space<hbm>> -> memref<640x128xf32, #tpu.memory_space<hbm>>
        tpu.enqueue_dma source(%dma_start3A_20 : memref<640x128xf32, #tpu.memory_space<hbm>>) target(%dma_start3A_18 : memref<640x128xf32, #tpu.memory_space<vmem_shared>>) target_semaphore(%run_scoped3A : memref<!tpu.dma_semaphore, #tpu.memory_space<semaphore_mem>>)
        %dma_wait3A = arith.constant 0 : i32
        %dma_wait3A_21 = tpu.memref_slice %arg9[%mul3A_11, %dma_wait3A] : memref<10240x128xf32, #tpu.memory_space<vmem_shared>> -> memref<640x128xf32, #tpu.memory_space<vmem_shared>>
        %dma_wait3A_22 = arith.constant 0 : i32
        %dma_wait3A_23 = tpu.memref_slice %arg2[%mul3A_11, %dma_wait3A_22] : memref<10240x128xf32, #tpu.memory_space<hbm>> -> memref<640x128xf32, #tpu.memory_space<hbm>>
        tpu.wait_dma2 semaphore(%run_scoped3A : memref<!tpu.dma_semaphore, #tpu.memory_space<semaphore_mem>>) src(%dma_wait3A_23 : memref<640x128xf32, #tpu.memory_space<hbm>>) dst(%dma_wait3A_21 : memref<640x128xf32, #tpu.memory_space<vmem_shared>>)
        tpu.yield
      }) : () -> ()
      %barrier3A = arith.constant 0 : index
      tpu.barrier barrier_id(%barrier3A)
      %scan3A = arith.constant 0 : i32
      %scan3A_12 = arith.constant 0 : i32
      %scan3A_13 = arith.constant 105 : i32
      %scan3A_14 = arith.addi %scan3A_12, %scan3A_13 : i32
      %scan3A_15 = arith.constant 1 : i32
      scf.for %scan3A_18 = %scan3A_12 to %scan3A_14 step %scan3A_15  : i32 {
        %dma_start3A = arith.constant 0 : i32
        %dma_start3A_19 = arith.constant 0 : i32
        %dma_start3A_20 = tpu.memref_slice %arg7[%cond3A, %dma_start3A, %dma_start3A_19] : memref<2x105x96xi32, #tpu.memory_space<vmem>> -> memref<1x105x96xi32, #tpu.memory_space<vmem>>
        %dma_start3A_21 = tpu.memref_squeeze %dma_start3A_20 : memref<1x105x96xi32, #tpu.memory_space<vmem>> -> memref<105x96xi32, #tpu.memory_space<vmem>>
        %dma_start3A_22 = arith.constant 0 : i32
        %dma_start3A_23 = tpu.memref_slice %dma_start3A_21[%scan3A_18, %dma_start3A_22] : memref<105x96xi32, #tpu.memory_space<vmem>> -> memref<1x96xi32, #tpu.memory_space<vmem>>
        %dma_start3A_24 = tpu.memref_squeeze %dma_start3A_23 : memref<1x96xi32, #tpu.memory_space<vmem>> -> memref<96xi32, #tpu.memory_space<vmem>>
        %dma_start3A_25 = arith.constant 0 : i32
        %dma_start3A_26 = arith.constant 0 : i32
        %dma_start3A_27 = tpu.memref_slice %arg2[%dma_start3A_25, %dma_start3A_26] : memref<10240x128xf32, #tpu.memory_space<hbm>> -> memref<10240x128xf32, #tpu.memory_space<hbm>>
        tpu.enqueue_indirect_dma source(%dma_start3A_27 : memref<10240x128xf32, #tpu.memory_space<hbm>>) target(%arg8 : memref<96x128xf32, #tpu.memory_space<vmem>>) offsets(%dma_start3A_24 : memref<96xi32, #tpu.memory_space<vmem>>) semaphore(%arg10 : memref<!tpu.dma_semaphore, #tpu.memory_space<semaphore_mem>>)
        %dma_wait3A = arith.constant 0 : i32
        %dma_wait3A_28 = arith.constant 0 : i32
        %dma_wait3A_29 = tpu.memref_slice %arg7[%cond3A, %dma_wait3A, %dma_wait3A_28] : memref<2x105x96xi32, #tpu.memory_space<vmem>> -> memref<1x105x96xi32, #tpu.memory_space<vmem>>
        %dma_wait3A_30 = tpu.memref_squeeze %dma_wait3A_29 : memref<1x105x96xi32, #tpu.memory_space<vmem>> -> memref<105x96xi32, #tpu.memory_space<vmem>>
        %dma_wait3A_31 = arith.constant 0 : i32
        %dma_wait3A_32 = tpu.memref_slice %dma_wait3A_30[%scan3A_18, %dma_wait3A_31] : memref<105x96xi32, #tpu.memory_space<vmem>> -> memref<1x96xi32, #tpu.memory_space<vmem>>
        %dma_wait3A_33 = tpu.memref_squeeze %dma_wait3A_32 : memref<1x96xi32, #tpu.memory_space<vmem>> -> memref<96xi32, #tpu.memory_space<vmem>>
        %dma_wait3A_34 = arith.constant 0 : i32
        %dma_wait3A_35 = arith.constant 0 : i32
        %dma_wait3A_36 = tpu.memref_slice %arg2[%dma_wait3A_34, %dma_wait3A_35] : memref<10240x128xf32, #tpu.memory_space<hbm>> -> memref<10240x128xf32, #tpu.memory_space<hbm>>
        tpu.wait_indirect_dma semaphore(%arg10 : memref<!tpu.dma_semaphore, #tpu.memory_space<semaphore_mem>>) src(%dma_wait3A_36 : memref<10240x128xf32, #tpu.memory_space<hbm>>) dst(%arg8 : memref<96x128xf32, #tpu.memory_space<vmem>>)
        "tpu.region"() ({
          %run_scoped3A = tpu.sem_alloc : memref<!tpu.dma_semaphore, #tpu.memory_space<semaphore_mem>>
          %dma_start3A_37 = arith.constant 0 : i32
          %dma_start3A_38 = arith.constant 0 : i32
          %dma_start3A_39 = tpu.memref_slice %arg7[%cond3A_1, %dma_start3A_37, %dma_start3A_38] : memref<2x105x96xi32, #tpu.memory_space<vmem>> -> memref<1x105x96xi32, #tpu.memory_space<vmem>>
          %dma_start3A_40 = tpu.memref_squeeze %dma_start3A_39 : memref<1x105x96xi32, #tpu.memory_space<vmem>> -> memref<105x96xi32, #tpu.memory_space<vmem>>
          %dma_start3A_41 = arith.constant 0 : i32
          %dma_start3A_42 = tpu.memref_slice %dma_start3A_40[%scan3A_18, %dma_start3A_41] : memref<105x96xi32, #tpu.memory_space<vmem>> -> memref<1x96xi32, #tpu.memory_space<vmem>>
          %dma_start3A_43 = tpu.memref_squeeze %dma_start3A_42 : memref<1x96xi32, #tpu.memory_space<vmem>> -> memref<96xi32, #tpu.memory_space<vmem>>
          %dma_start3A_44 = arith.constant 0 : i32
          %dma_start3A_45 = arith.constant 0 : i32
          %dma_start3A_46 = tpu.memref_slice %arg9[%dma_start3A_44, %dma_start3A_45] : memref<10240x128xf32, #tpu.memory_space<vmem_shared>> -> memref<10240x128xf32, #tpu.memory_space<vmem_shared>>
          tpu.enqueue_indirect_dma source(%arg8 : memref<96x128xf32, #tpu.memory_space<vmem>>) target(%dma_start3A_46 : memref<10240x128xf32, #tpu.memory_space<vmem_shared>>) offsets(%dma_start3A_43 : memref<96xi32, #tpu.memory_space<vmem>>) semaphore(%run_scoped3A : memref<!tpu.dma_semaphore, #tpu.memory_space<semaphore_mem>>) {add = true}
          %dma_wait3A_47 = arith.constant 0 : i32
          %dma_wait3A_48 = arith.constant 0 : i32
          %dma_wait3A_49 = tpu.memref_slice %arg7[%cond3A_1, %dma_wait3A_47, %dma_wait3A_48] : memref<2x105x96xi32, #tpu.memory_space<vmem>> -> memref<1x105x96xi32, #tpu.memory_space<vmem>>
          %dma_wait3A_50 = tpu.memref_squeeze %dma_wait3A_49 : memref<1x105x96xi32, #tpu.memory_space<vmem>> -> memref<105x96xi32, #tpu.memory_space<vmem>>
          %dma_wait3A_51 = arith.constant 0 : i32
          %dma_wait3A_52 = tpu.memref_slice %dma_wait3A_50[%scan3A_18, %dma_wait3A_51] : memref<105x96xi32, #tpu.memory_space<vmem>> -> memref<1x96xi32, #tpu.memory_space<vmem>>
          %dma_wait3A_53 = tpu.memref_squeeze %dma_wait3A_52 : memref<1x96xi32, #tpu.memory_space<vmem>> -> memref<96xi32, #tpu.memory_space<vmem>>
          %dma_wait3A_54 = arith.constant 0 : i32
          %dma_wait3A_55 = arith.constant 0 : i32
          %dma_wait3A_56 = tpu.memref_slice %arg9[%dma_wait3A_54, %dma_wait3A_55] : memref<10240x128xf32, #tpu.memory_space<vmem_shared>> -> memref<10240x128xf32, #tpu.memory_space<vmem_shared>>
          tpu.wait_indirect_dma semaphore(%run_scoped3A : memref<!tpu.dma_semaphore, #tpu.memory_space<semaphore_mem>>) src(%arg8 : memref<96x128xf32, #tpu.memory_space<vmem>>) dst(%dma_wait3A_56 : memref<10240x128xf32, #tpu.memory_space<vmem_shared>>)
          tpu.yield
        }) : () -> ()
      }
      %scan3A_16 = arith.constant 105 : i32
      %barrier3A_17 = arith.constant 0 : index
      tpu.barrier barrier_id(%barrier3A_17)
      "tpu.region"() ({
        %run_scoped3A = tpu.sem_alloc : memref<!tpu.dma_semaphore, #tpu.memory_space<semaphore_mem>>
        %dma_start3A = arith.constant 0 : i32
        %dma_start3A_18 = tpu.memref_slice %arg5[%mul3A_11, %dma_start3A] : memref<10240x128xf32, #tpu.memory_space<hbm>> -> memref<640x128xf32, #tpu.memory_space<hbm>>
        %dma_start3A_19 = arith.constant 0 : i32
        %dma_start3A_20 = tpu.memref_slice %arg9[%mul3A_11, %dma_start3A_19] : memref<10240x128xf32, #tpu.memory_space<vmem_shared>> -> memref<640x128xf32, #tpu.memory_space<vmem_shared>>
        tpu.enqueue_dma source(%dma_start3A_20 : memref<640x128xf32, #tpu.memory_space<vmem_shared>>) target(%dma_start3A_18 : memref<640x128xf32, #tpu.memory_space<hbm>>) target_semaphore(%run_scoped3A : memref<!tpu.dma_semaphore, #tpu.memory_space<semaphore_mem>>)
        %dma_wait3A = arith.constant 0 : i32
        %dma_wait3A_21 = tpu.memref_slice %arg5[%mul3A_11, %dma_wait3A] : memref<10240x128xf32, #tpu.memory_space<hbm>> -> memref<640x128xf32, #tpu.memory_space<hbm>>
        %dma_wait3A_22 = arith.constant 0 : i32
        %dma_wait3A_23 = tpu.memref_slice %arg9[%mul3A_11, %dma_wait3A_22] : memref<10240x128xf32, #tpu.memory_space<vmem_shared>> -> memref<640x128xf32, #tpu.memory_space<vmem_shared>>
        tpu.wait_dma2 semaphore(%run_scoped3A : memref<!tpu.dma_semaphore, #tpu.memory_space<semaphore_mem>>) src(%dma_wait3A_23 : memref<640x128xf32, #tpu.memory_space<vmem_shared>>) dst(%dma_wait3A_21 : memref<640x128xf32, #tpu.memory_space<hbm>>)
        tpu.yield
      }) : () -> ()
    } else {
    }
    %eq3A_4 = arith.constant 1 : i32
    %eq3A_5 = arith.cmpi eq, %arg0, %eq3A_4 : i32
    %convert_element_type3A_6 = arith.extui %eq3A_5 : i1 to i32
    %cond3A_7 = arith.constant 0 : i32
    %cond3A_8 = arith.constant 1 : i32
    %cond3A_9 = arith.constant 0 : i32
    %cond3A_10 = arith.cmpi ne, %convert_element_type3A_6, %cond3A_9 : i32
    scf.if %cond3A_10 {
      %mul3A = arith.constant 640 : i32
      %mul3A_11 = arith.muli %arg1, %mul3A : i32
      "tpu.region"() ({
        %run_scoped3A = tpu.sem_alloc : memref<!tpu.dma_semaphore, #tpu.memory_space<semaphore_mem>>
        %dma_start3A = arith.constant 0 : i32
        %dma_start3A_18 = tpu.memref_slice %arg9[%mul3A_11, %dma_start3A] : memref<10240x128xf32, #tpu.memory_space<vmem_shared>> -> memref<640x128xf32, #tpu.memory_space<vmem_shared>>
        %dma_start3A_19 = arith.constant 0 : i32
        %dma_start3A_20 = tpu.memref_slice %arg3[%mul3A_11, %dma_start3A_19] : memref<10240x128xf32, #tpu.memory_space<hbm>> -> memref<640x128xf32, #tpu.memory_space<hbm>>
        tpu.enqueue_dma source(%dma_start3A_20 : memref<640x128xf32, #tpu.memory_space<hbm>>) target(%dma_start3A_18 : memref<640x128xf32, #tpu.memory_space<vmem_shared>>) target_semaphore(%run_scoped3A : memref<!tpu.dma_semaphore, #tpu.memory_space<semaphore_mem>>)
        %dma_wait3A = arith.constant 0 : i32
        %dma_wait3A_21 = tpu.memref_slice %arg9[%mul3A_11, %dma_wait3A] : memref<10240x128xf32, #tpu.memory_space<vmem_shared>> -> memref<640x128xf32, #tpu.memory_space<vmem_shared>>
        %dma_wait3A_22 = arith.constant 0 : i32
        %dma_wait3A_23 = tpu.memref_slice %arg3[%mul3A_11, %dma_wait3A_22] : memref<10240x128xf32, #tpu.memory_space<hbm>> -> memref<640x128xf32, #tpu.memory_space<hbm>>
        tpu.wait_dma2 semaphore(%run_scoped3A : memref<!tpu.dma_semaphore, #tpu.memory_space<semaphore_mem>>) src(%dma_wait3A_23 : memref<640x128xf32, #tpu.memory_space<hbm>>) dst(%dma_wait3A_21 : memref<640x128xf32, #tpu.memory_space<vmem_shared>>)
        tpu.yield
      }) : () -> ()
      %barrier3A = arith.constant 0 : index
      tpu.barrier barrier_id(%barrier3A)
      %scan3A = arith.constant 0 : i32
      %scan3A_12 = arith.constant 0 : i32
      %scan3A_13 = arith.constant 105 : i32
      %scan3A_14 = arith.addi %scan3A_12, %scan3A_13 : i32
      %scan3A_15 = arith.constant 1 : i32
      scf.for %scan3A_18 = %scan3A_12 to %scan3A_14 step %scan3A_15  : i32 {
        %dma_start3A = arith.constant 0 : i32
        %dma_start3A_19 = arith.constant 0 : i32
        %dma_start3A_20 = tpu.memref_slice %arg7[%cond3A_7, %dma_start3A, %dma_start3A_19] : memref<2x105x96xi32, #tpu.memory_space<vmem>> -> memref<1x105x96xi32, #tpu.memory_space<vmem>>
        %dma_start3A_21 = tpu.memref_squeeze %dma_start3A_20 : memref<1x105x96xi32, #tpu.memory_space<vmem>> -> memref<105x96xi32, #tpu.memory_space<vmem>>
        %dma_start3A_22 = arith.constant 0 : i32
        %dma_start3A_23 = tpu.memref_slice %dma_start3A_21[%scan3A_18, %dma_start3A_22] : memref<105x96xi32, #tpu.memory_space<vmem>> -> memref<1x96xi32, #tpu.memory_space<vmem>>
        %dma_start3A_24 = tpu.memref_squeeze %dma_start3A_23 : memref<1x96xi32, #tpu.memory_space<vmem>> -> memref<96xi32, #tpu.memory_space<vmem>>
        %dma_start3A_25 = arith.constant 0 : i32
        %dma_start3A_26 = arith.constant 0 : i32
        %dma_start3A_27 = tpu.memref_slice %arg3[%dma_start3A_25, %dma_start3A_26] : memref<10240x128xf32, #tpu.memory_space<hbm>> -> memref<10240x128xf32, #tpu.memory_space<hbm>>
        tpu.enqueue_indirect_dma source(%dma_start3A_27 : memref<10240x128xf32, #tpu.memory_space<hbm>>) target(%arg8 : memref<96x128xf32, #tpu.memory_space<vmem>>) offsets(%dma_start3A_24 : memref<96xi32, #tpu.memory_space<vmem>>) semaphore(%arg10 : memref<!tpu.dma_semaphore, #tpu.memory_space<semaphore_mem>>)
        %dma_wait3A = arith.constant 0 : i32
        %dma_wait3A_28 = arith.constant 0 : i32
        %dma_wait3A_29 = tpu.memref_slice %arg7[%cond3A_7, %dma_wait3A, %dma_wait3A_28] : memref<2x105x96xi32, #tpu.memory_space<vmem>> -> memref<1x105x96xi32, #tpu.memory_space<vmem>>
        %dma_wait3A_30 = tpu.memref_squeeze %dma_wait3A_29 : memref<1x105x96xi32, #tpu.memory_space<vmem>> -> memref<105x96xi32, #tpu.memory_space<vmem>>
        %dma_wait3A_31 = arith.constant 0 : i32
        %dma_wait3A_32 = tpu.memref_slice %dma_wait3A_30[%scan3A_18, %dma_wait3A_31] : memref<105x96xi32, #tpu.memory_space<vmem>> -> memref<1x96xi32, #tpu.memory_space<vmem>>
        %dma_wait3A_33 = tpu.memref_squeeze %dma_wait3A_32 : memref<1x96xi32, #tpu.memory_space<vmem>> -> memref<96xi32, #tpu.memory_space<vmem>>
        %dma_wait3A_34 = arith.constant 0 : i32
        %dma_wait3A_35 = arith.constant 0 : i32
        %dma_wait3A_36 = tpu.memref_slice %arg3[%dma_wait3A_34, %dma_wait3A_35] : memref<10240x128xf32, #tpu.memory_space<hbm>> -> memref<10240x128xf32, #tpu.memory_space<hbm>>
        tpu.wait_indirect_dma semaphore(%arg10 : memref<!tpu.dma_semaphore, #tpu.memory_space<semaphore_mem>>) src(%dma_wait3A_36 : memref<10240x128xf32, #tpu.memory_space<hbm>>) dst(%arg8 : memref<96x128xf32, #tpu.memory_space<vmem>>)
        "tpu.region"() ({
          %run_scoped3A = tpu.sem_alloc : memref<!tpu.dma_semaphore, #tpu.memory_space<semaphore_mem>>
          %dma_start3A_37 = arith.constant 0 : i32
          %dma_start3A_38 = arith.constant 0 : i32
          %dma_start3A_39 = tpu.memref_slice %arg7[%cond3A_8, %dma_start3A_37, %dma_start3A_38] : memref<2x105x96xi32, #tpu.memory_space<vmem>> -> memref<1x105x96xi32, #tpu.memory_space<vmem>>
          %dma_start3A_40 = tpu.memref_squeeze %dma_start3A_39 : memref<1x105x96xi32, #tpu.memory_space<vmem>> -> memref<105x96xi32, #tpu.memory_space<vmem>>
          %dma_start3A_41 = arith.constant 0 : i32
          %dma_start3A_42 = tpu.memref_slice %dma_start3A_40[%scan3A_18, %dma_start3A_41] : memref<105x96xi32, #tpu.memory_space<vmem>> -> memref<1x96xi32, #tpu.memory_space<vmem>>
          %dma_start3A_43 = tpu.memref_squeeze %dma_start3A_42 : memref<1x96xi32, #tpu.memory_space<vmem>> -> memref<96xi32, #tpu.memory_space<vmem>>
          %dma_start3A_44 = arith.constant 0 : i32
          %dma_start3A_45 = arith.constant 0 : i32
          %dma_start3A_46 = tpu.memref_slice %arg9[%dma_start3A_44, %dma_start3A_45] : memref<10240x128xf32, #tpu.memory_space<vmem_shared>> -> memref<10240x128xf32, #tpu.memory_space<vmem_shared>>
          tpu.enqueue_indirect_dma source(%arg8 : memref<96x128xf32, #tpu.memory_space<vmem>>) target(%dma_start3A_46 : memref<10240x128xf32, #tpu.memory_space<vmem_shared>>) offsets(%dma_start3A_43 : memref<96xi32, #tpu.memory_space<vmem>>) semaphore(%run_scoped3A : memref<!tpu.dma_semaphore, #tpu.memory_space<semaphore_mem>>) {add = true}
          %dma_wait3A_47 = arith.constant 0 : i32
          %dma_wait3A_48 = arith.constant 0 : i32
          %dma_wait3A_49 = tpu.memref_slice %arg7[%cond3A_8, %dma_wait3A_47, %dma_wait3A_48] : memref<2x105x96xi32, #tpu.memory_space<vmem>> -> memref<1x105x96xi32, #tpu.memory_space<vmem>>
          %dma_wait3A_50 = tpu.memref_squeeze %dma_wait3A_49 : memref<1x105x96xi32, #tpu.memory_space<vmem>> -> memref<105x96xi32, #tpu.memory_space<vmem>>
          %dma_wait3A_51 = arith.constant 0 : i32
          %dma_wait3A_52 = tpu.memref_slice %dma_wait3A_50[%scan3A_18, %dma_wait3A_51] : memref<105x96xi32, #tpu.memory_space<vmem>> -> memref<1x96xi32, #tpu.memory_space<vmem>>
          %dma_wait3A_53 = tpu.memref_squeeze %dma_wait3A_52 : memref<1x96xi32, #tpu.memory_space<vmem>> -> memref<96xi32, #tpu.memory_space<vmem>>
          %dma_wait3A_54 = arith.constant 0 : i32
          %dma_wait3A_55 = arith.constant 0 : i32
          %dma_wait3A_56 = tpu.memref_slice %arg9[%dma_wait3A_54, %dma_wait3A_55] : memref<10240x128xf32, #tpu.memory_space<vmem_shared>> -> memref<10240x128xf32, #tpu.memory_space<vmem_shared>>
          tpu.wait_indirect_dma semaphore(%run_scoped3A : memref<!tpu.dma_semaphore, #tpu.memory_space<semaphore_mem>>) src(%arg8 : memref<96x128xf32, #tpu.memory_space<vmem>>) dst(%dma_wait3A_56 : memref<10240x128xf32, #tpu.memory_space<vmem_shared>>)
          tpu.yield
        }) : () -> ()
      }
      %scan3A_16 = arith.constant 105 : i32
      %barrier3A_17 = arith.constant 0 : index
      tpu.barrier barrier_id(%barrier3A_17)
      "tpu.region"() ({
        %run_scoped3A = tpu.sem_alloc : memref<!tpu.dma_semaphore, #tpu.memory_space<semaphore_mem>>
        %dma_start3A = arith.constant 0 : i32
        %dma_start3A_18 = tpu.memref_slice %arg6[%mul3A_11, %dma_start3A] : memref<10240x128xf32, #tpu.memory_space<hbm>> -> memref<640x128xf32, #tpu.memory_space<hbm>>
        %dma_start3A_19 = arith.constant 0 : i32
        %dma_start3A_20 = tpu.memref_slice %arg9[%mul3A_11, %dma_start3A_19] : memref<10240x128xf32, #tpu.memory_space<vmem_shared>> -> memref<640x128xf32, #tpu.memory_space<vmem_shared>>
        tpu.enqueue_dma source(%dma_start3A_20 : memref<640x128xf32, #tpu.memory_space<vmem_shared>>) target(%dma_start3A_18 : memref<640x128xf32, #tpu.memory_space<hbm>>) target_semaphore(%run_scoped3A : memref<!tpu.dma_semaphore, #tpu.memory_space<semaphore_mem>>)
        %dma_wait3A = arith.constant 0 : i32
        %dma_wait3A_21 = tpu.memref_slice %arg6[%mul3A_11, %dma_wait3A] : memref<10240x128xf32, #tpu.memory_space<hbm>> -> memref<640x128xf32, #tpu.memory_space<hbm>>
        %dma_wait3A_22 = arith.constant 0 : i32
        %dma_wait3A_23 = tpu.memref_slice %arg9[%mul3A_11, %dma_wait3A_22] : memref<10240x128xf32, #tpu.memory_space<vmem_shared>> -> memref<640x128xf32, #tpu.memory_space<vmem_shared>>
        tpu.wait_dma2 semaphore(%run_scoped3A : memref<!tpu.dma_semaphore, #tpu.memory_space<semaphore_mem>>) src(%dma_wait3A_23 : memref<640x128xf32, #tpu.memory_space<vmem_shared>>) dst(%dma_wait3A_21 : memref<640x128xf32, #tpu.memory_space<hbm>>)
        tpu.yield
      }) : () -> ()
    } else {
    }
    return
  }
}

module attributes {stable_mosaic.version = 14 : i64} {
  func.func @_tc1_body(%arg0: i32, %arg1: memref<2000x256xf32, #tpu.memory_space<vmem>>, %arg2: memref<256x256xf32, #tpu.memory_space<vmem>>, %arg3: memref<2000x1xf32, #tpu.memory_space<vmem>>, %arg4: memref<2000x1xf32, #tpu.memory_space<vmem>>, %arg5: memref<2000x128xf32, #tpu.memory_space<vmem>>, %arg6: memref<2000x128xf32, #tpu.memory_space<vmem>>, %arg7: memref<2000x1xf32, #tpu.memory_space<vmem>>) attributes {dimension_semantics = [#tpu.dimension_semantics<arbitrary>], iteration_bounds = array<i64: 5>, scalar_prefetch = 0 : i64, scratch_operands = 0 : i64, tpu.core_type = #tpu.core_type<tc>, window_params = [{transform_indices = @transform_0, window_bounds = array<i64: 2000, 256>}, {pipeline_mode = #tpu.pipeline_mode<synchronous>, transform_indices = @transform_1, window_bounds = array<i64: 256, 256>}, {transform_indices = @transform_2, window_bounds = array<i64: 2000, 1>}, {transform_indices = @transform_3, window_bounds = array<i64: 2000, 1>}, {transform_indices = @transform_4, window_bounds = array<i64: 2000, 128>}, {transform_indices = @transform_5, window_bounds = array<i64: 2000, 128>}, {transform_indices = @transform_6, window_bounds = array<i64: 2000, 1>}]} {
    %get3A = arith.constant 0 : index
    %get3A_0 = arith.constant 0 : index
    %get3A_1 = vector.load %arg1[%get3A, %get3A_0] : memref<2000x256xf32, #tpu.memory_space<vmem>>, vector<2000x256xf32>
    %get3A_2 = arith.constant 0 : index
    %get3A_3 = arith.constant 0 : index
    %get3A_4 = vector.load %arg2[%get3A_2, %get3A_3] : memref<256x256xf32, #tpu.memory_space<vmem>>, vector<256x256xf32>
    %dot_general3A = arith.constant dense<0.000000e+00> : vector<2000x256xf32>
    %dot_general3A_5 = tpu.matmul %get3A_1, %get3A_4, %dot_general3A {dimension_numbers = #tpu.dot_dimension_numbers<[1], [0], [0], [1], [0, 0, 1, 1], [], []>, transpose_lhs_hint = false} : vector<2000x256xf32>, vector<256x256xf32>, vector<2000x256xf32> -> vector<2000x256xf32>
    %get3A_6 = arith.constant 0 : index
    %get3A_7 = arith.constant 0 : index
    %get3A_8 = vector.load %arg3[%get3A_6, %get3A_7] : memref<2000x1xf32, #tpu.memory_space<vmem>>, vector<2000x1xf32>
    %get3A_9 = arith.constant 0 : index
    %get3A_10 = arith.constant 0 : index
    %get3A_11 = vector.load %arg4[%get3A_9, %get3A_10] : memref<2000x1xf32, #tpu.memory_space<vmem>>, vector<2000x1xf32>
    %add3A = arith.addf %get3A_8, %get3A_11 : vector<2000x1xf32>
    %add3A_12 = arith.constant 1.000000e+00 : f32
    %add3A_13 = vector.broadcast %add3A_12 : f32 to vector<2000x1xf32>
    %add3A_14 = arith.addf %add3A, %add3A_13 : vector<2000x1xf32>
    %max3A = arith.constant 1.000000e+00 : f32
    %max3A_15 = vector.broadcast %max3A : f32 to vector<2000x1xf32>
    %max3A_16 = arith.maximumf %add3A_14, %max3A_15 : vector<2000x1xf32>
    %rsqrt3A = math.rsqrt %max3A_16 : vector<2000x1xf32>
    %swap3A = arith.constant 0 : index
    %swap3A_17 = arith.constant 0 : index
    %swap3A_18 = vector.load %arg7[%swap3A, %swap3A_17] : memref<2000x1xf32, #tpu.memory_space<vmem>>, vector<2000x1xf32>
    tpu.vector_store %arg7[%swap3A, %swap3A_17], %rsqrt3A {strides = array<i32>} : memref<2000x1xf32, #tpu.memory_space<vmem>>, vector<2000x1xf32>,
    %mul3A = vector.broadcast %rsqrt3A : vector<2000x1xf32> to vector<2000x256xf32>
    %mul3A_19 = arith.mulf %dot_general3A_5, %mul3A : vector<2000x256xf32>
    %slice3A = vector.extract_strided_slice %mul3A_19 {offsets = [0, 0], sizes = [2000, 128], strides = [1, 1]} : vector<2000x256xf32> to vector<2000x128xf32>
    %swap3A_20 = arith.constant 0 : index
    %swap3A_21 = arith.constant 0 : index
    %swap3A_22 = vector.load %arg5[%swap3A_20, %swap3A_21] : memref<2000x128xf32, #tpu.memory_space<vmem>>, vector<2000x128xf32>
    tpu.vector_store %arg5[%swap3A_20, %swap3A_21], %slice3A {strides = array<i32>} : memref<2000x128xf32, #tpu.memory_space<vmem>>, vector<2000x128xf32>,
    %slice3A_23 = vector.extract_strided_slice %mul3A_19 {offsets = [0, 128], sizes = [2000, 128], strides = [1, 1]} : vector<2000x256xf32> to vector<2000x128xf32>
    %swap3A_24 = arith.constant 0 : index
    %swap3A_25 = arith.constant 0 : index
    %swap3A_26 = vector.load %arg6[%swap3A_24, %swap3A_25] : memref<2000x128xf32, #tpu.memory_space<vmem>>, vector<2000x128xf32>
    tpu.vector_store %arg6[%swap3A_24, %swap3A_25], %slice3A_23 {strides = array<i32>} : memref<2000x128xf32, #tpu.memory_space<vmem>>, vector<2000x128xf32>,
    return
  }
  func.func @transform_0(%arg0: i32) -> (i32, i32) {
    %c0_i32 = arith.constant 0 : i32
    %c0_i32_0 = arith.constant 0 : i32
    return %arg0, %c0_i32 : i32, i32
  }
  func.func @transform_1(%arg0: i32) -> (i32, i32) {
    %c0_i32 = arith.constant 0 : i32
    %c0_i32_0 = arith.constant 0 : i32
    %c0_i32_1 = arith.constant 0 : i32
    return %c0_i32, %c0_i32_0 : i32, i32
  }
  func.func @transform_2(%arg0: i32) -> (i32, i32) {
    %c0_i32 = arith.constant 0 : i32
    %c0_i32_0 = arith.constant 0 : i32
    return %arg0, %c0_i32 : i32, i32
  }
  func.func @transform_3(%arg0: i32) -> (i32, i32) {
    %c0_i32 = arith.constant 0 : i32
    %c0_i32_0 = arith.constant 0 : i32
    return %arg0, %c0_i32 : i32, i32
  }
  func.func @transform_4(%arg0: i32) -> (i32, i32) {
    %c0_i32 = arith.constant 0 : i32
    %c0_i32_0 = arith.constant 0 : i32
    return %arg0, %c0_i32 : i32, i32
  }
  func.func @transform_5(%arg0: i32) -> (i32, i32) {
    %c0_i32 = arith.constant 0 : i32
    %c0_i32_0 = arith.constant 0 : i32
    return %arg0, %c0_i32 : i32, i32
  }
  func.func @transform_6(%arg0: i32) -> (i32, i32) {
    %c0_i32 = arith.constant 0 : i32
    %c0_i32_0 = arith.constant 0 : i32
    return %arg0, %c0_i32 : i32, i32
  }
}

module attributes {stable_mosaic.version = 14 : i64} {
  func.func @_tc2_body(%arg0: i32, %arg1: memref<2000x128xf32, #tpu.memory_space<vmem>>, %arg2: memref<2000x128xf32, #tpu.memory_space<vmem>>, %arg3: memref<2000x1xf32, #tpu.memory_space<vmem>>, %arg4: memref<1x256xf32, #tpu.memory_space<vmem>>, %arg5: memref<256x256xf32, #tpu.memory_space<vmem>>, %arg6: memref<2000x128xf32, #tpu.memory_space<vmem>>, %arg7: memref<2000x128xf32, #tpu.memory_space<vmem>>) attributes {dimension_semantics = [#tpu.dimension_semantics<arbitrary>], iteration_bounds = array<i64: 5>, scalar_prefetch = 0 : i64, scratch_operands = 0 : i64, tpu.core_type = #tpu.core_type<tc>, window_params = [{transform_indices = @transform_0, window_bounds = array<i64: 2000, 128>}, {transform_indices = @transform_1, window_bounds = array<i64: 2000, 128>}, {transform_indices = @transform_2, window_bounds = array<i64: 2000, 1>}, {pipeline_mode = #tpu.pipeline_mode<synchronous>, transform_indices = @transform_3, window_bounds = array<i64: 1, 256>}, {pipeline_mode = #tpu.pipeline_mode<synchronous>, transform_indices = @transform_4, window_bounds = array<i64: 256, 256>}, {transform_indices = @transform_5, window_bounds = array<i64: 2000, 128>}, {transform_indices = @transform_6, window_bounds = array<i64: 2000, 128>}]} {
    %get3A = arith.constant 0 : index
    %get3A_0 = arith.constant 0 : index
    %get3A_1 = vector.load %arg3[%get3A, %get3A_0] : memref<2000x1xf32, #tpu.memory_space<vmem>>, vector<2000x1xf32>
    %get3A_2 = arith.constant 0 : index
    %get3A_3 = arith.constant 0 : index
    %get3A_4 = vector.load %arg1[%get3A_2, %get3A_3] : memref<2000x128xf32, #tpu.memory_space<vmem>>, vector<2000x128xf32>
    %get3A_5 = arith.constant 0 : index
    %get3A_6 = arith.constant 0 : index
    %get3A_7 = vector.load %arg2[%get3A_5, %get3A_6] : memref<2000x128xf32, #tpu.memory_space<vmem>>, vector<2000x128xf32>
    %concatenate3A = tpu.concatenate %get3A_4, %get3A_7 in 1 : vector<2000x128xf32>, vector<2000x128xf32> -> vector<2000x256xf32>
    %mul3A = vector.broadcast %get3A_1 : vector<2000x1xf32> to vector<2000x256xf32>
    %mul3A_8 = arith.mulf %concatenate3A, %mul3A : vector<2000x256xf32>
    %get3A_9 = arith.constant 0 : index
    %get3A_10 = arith.constant 0 : index
    %get3A_11 = vector.load %arg4[%get3A_9, %get3A_10] : memref<1x256xf32, #tpu.memory_space<vmem>>, vector<1x256xf32>
    %add3A = vector.broadcast %get3A_11 : vector<1x256xf32> to vector<2000x256xf32>
    %add3A_12 = arith.addf %mul3A_8, %add3A : vector<2000x256xf32>
    %max3A = arith.constant 0.000000e+00 : f32
    %max3A_13 = vector.broadcast %max3A : f32 to vector<2000x256xf32>
    %max3A_14 = arith.maximumf %add3A_12, %max3A_13 : vector<2000x256xf32>
    %get3A_15 = arith.constant 0 : index
    %get3A_16 = arith.constant 0 : index
    %get3A_17 = vector.load %arg5[%get3A_15, %get3A_16] : memref<256x256xf32, #tpu.memory_space<vmem>>, vector<256x256xf32>
    %dot_general3A = arith.constant dense<0.000000e+00> : vector<2000x256xf32>
    %dot_general3A_18 = tpu.matmul %max3A_14, %get3A_17, %dot_general3A {dimension_numbers = #tpu.dot_dimension_numbers<[1], [0], [0], [1], [0, 0, 1, 1], [], []>, transpose_lhs_hint = false} : vector<2000x256xf32>, vector<256x256xf32>, vector<2000x256xf32> -> vector<2000x256xf32>
    %mul3A_19 = vector.broadcast %get3A_1 : vector<2000x1xf32> to vector<2000x256xf32>
    %mul3A_20 = arith.mulf %dot_general3A_18, %mul3A_19 : vector<2000x256xf32>
    %slice3A = vector.extract_strided_slice %mul3A_20 {offsets = [0, 0], sizes = [2000, 128], strides = [1, 1]} : vector<2000x256xf32> to vector<2000x128xf32>
    %swap3A = arith.constant 0 : index
    %swap3A_21 = arith.constant 0 : index
    %swap3A_22 = vector.load %arg6[%swap3A, %swap3A_21] : memref<2000x128xf32, #tpu.memory_space<vmem>>, vector<2000x128xf32>
    tpu.vector_store %arg6[%swap3A, %swap3A_21], %slice3A {strides = array<i32>} : memref<2000x128xf32, #tpu.memory_space<vmem>>, vector<2000x128xf32>,
    %slice3A_23 = vector.extract_strided_slice %mul3A_20 {offsets = [0, 128], sizes = [2000, 128], strides = [1, 1]} : vector<2000x256xf32> to vector<2000x128xf32>
    %swap3A_24 = arith.constant 0 : index
    %swap3A_25 = arith.constant 0 : index
    %swap3A_26 = vector.load %arg7[%swap3A_24, %swap3A_25] : memref<2000x128xf32, #tpu.memory_space<vmem>>, vector<2000x128xf32>
    tpu.vector_store %arg7[%swap3A_24, %swap3A_25], %slice3A_23 {strides = array<i32>} : memref<2000x128xf32, #tpu.memory_space<vmem>>, vector<2000x128xf32>,
    return
  }
  func.func @transform_0(%arg0: i32) -> (i32, i32) {
    %c0_i32 = arith.constant 0 : i32
    %c0_i32_0 = arith.constant 0 : i32
    return %arg0, %c0_i32 : i32, i32
  }
  func.func @transform_1(%arg0: i32) -> (i32, i32) {
    %c0_i32 = arith.constant 0 : i32
    %c0_i32_0 = arith.constant 0 : i32
    return %arg0, %c0_i32 : i32, i32
  }
  func.func @transform_2(%arg0: i32) -> (i32, i32) {
    %c0_i32 = arith.constant 0 : i32
    %c0_i32_0 = arith.constant 0 : i32
    return %arg0, %c0_i32 : i32, i32
  }
  func.func @transform_3(%arg0: i32) -> (i32, i32) {
    %c0_i32 = arith.constant 0 : i32
    %c0_i32_0 = arith.constant 0 : i32
    %c0_i32_1 = arith.constant 0 : i32
    return %c0_i32, %c0_i32_0 : i32, i32
  }
  func.func @transform_4(%arg0: i32) -> (i32, i32) {
    %c0_i32 = arith.constant 0 : i32
    %c0_i32_0 = arith.constant 0 : i32
    %c0_i32_1 = arith.constant 0 : i32
    return %c0_i32, %c0_i32_0 : i32, i32
  }
  func.func @transform_5(%arg0: i32) -> (i32, i32) {
    %c0_i32 = arith.constant 0 : i32
    %c0_i32_0 = arith.constant 0 : i32
    return %arg0, %c0_i32 : i32, i32
  }
  func.func @transform_6(%arg0: i32) -> (i32, i32) {
    %c0_i32 = arith.constant 0 : i32
    %c0_i32_0 = arith.constant 0 : i32
    return %arg0, %c0_i32 : i32, i32
  }
}

module attributes {stable_mosaic.version = 14 : i64} {
  func.func @_tc3_body(%arg0: i32, %arg1: memref<2000x128xf32, #tpu.memory_space<vmem>>, %arg2: memref<2000x128xf32, #tpu.memory_space<vmem>>, %arg3: memref<2000x1xf32, #tpu.memory_space<vmem>>, %arg4: memref<1x256xf32, #tpu.memory_space<vmem>>, %arg5: memref<2000x1xi32, #tpu.memory_space<vmem>>, %arg6: memref<256x10xf32, #tpu.memory_space<vmem>>, %arg7: memref<1x10xf32, #tpu.memory_space<vmem>>, %arg8: memref<64x10xf32, #tpu.memory_space<vmem>>, %arg9: memref<64x256xf32, #tpu.memory_space<vmem>>, %arg10: memref<64x1xf32, #tpu.memory_space<vmem>>) attributes {dimension_semantics = [#tpu.dimension_semantics<arbitrary>], iteration_bounds = array<i64: 5>, scalar_prefetch = 0 : i64, scratch_operands = 2 : i64, tpu.core_type = #tpu.core_type<tc>, window_params = [{transform_indices = @transform_0, window_bounds = array<i64: 2000, 128>}, {transform_indices = @transform_1, window_bounds = array<i64: 2000, 128>}, {transform_indices = @transform_2, window_bounds = array<i64: 2000, 1>}, {pipeline_mode = #tpu.pipeline_mode<synchronous>, transform_indices = @transform_3, window_bounds = array<i64: 1, 256>}, {transform_indices = @transform_4, window_bounds = array<i64: 2000, 1>}, {pipeline_mode = #tpu.pipeline_mode<synchronous>, transform_indices = @transform_5, window_bounds = array<i64: 256, 10>}, {pipeline_mode = #tpu.pipeline_mode<synchronous>, transform_indices = @transform_6, window_bounds = array<i64: 1, 10>}, {pipeline_mode = #tpu.pipeline_mode<synchronous>, transform_indices = @transform_7, window_bounds = array<i64: 64, 10>}]} {
    %get3A = arith.constant 0 : index
    %get3A_0 = arith.constant 0 : index
    %get3A_1 = vector.load %arg3[%get3A, %get3A_0] : memref<2000x1xf32, #tpu.memory_space<vmem>>, vector<2000x1xf32>
    %get3A_2 = arith.constant 0 : index
    %get3A_3 = arith.constant 0 : index
    %get3A_4 = vector.load %arg1[%get3A_2, %get3A_3] : memref<2000x128xf32, #tpu.memory_space<vmem>>, vector<2000x128xf32>
    %get3A_5 = arith.constant 0 : index
    %get3A_6 = arith.constant 0 : index
    %get3A_7 = vector.load %arg2[%get3A_5, %get3A_6] : memref<2000x128xf32, #tpu.memory_space<vmem>>, vector<2000x128xf32>
    %concatenate3A = tpu.concatenate %get3A_4, %get3A_7 in 1 : vector<2000x128xf32>, vector<2000x128xf32> -> vector<2000x256xf32>
    %mul3A = vector.broadcast %get3A_1 : vector<2000x1xf32> to vector<2000x256xf32>
    %mul3A_8 = arith.mulf %concatenate3A, %mul3A : vector<2000x256xf32>
    %get3A_9 = arith.constant 0 : index
    %get3A_10 = arith.constant 0 : index
    %get3A_11 = vector.load %arg4[%get3A_9, %get3A_10] : memref<1x256xf32, #tpu.memory_space<vmem>>, vector<1x256xf32>
    %add3A = vector.broadcast %get3A_11 : vector<1x256xf32> to vector<2000x256xf32>
    %add3A_12 = arith.addf %mul3A_8, %add3A : vector<2000x256xf32>
    %max3A = arith.constant 0.000000e+00 : f32
    %max3A_13 = vector.broadcast %max3A : f32 to vector<2000x256xf32>
    %max3A_14 = arith.maximumf %add3A_12, %max3A_13 : vector<2000x256xf32>
    %get3A_15 = arith.constant 0 : index
    %get3A_16 = arith.constant 0 : index
    %get3A_17 = vector.load %arg5[%get3A_15, %get3A_16] : memref<2000x1xi32, #tpu.memory_space<vmem>>, vector<2000x1xi32>
    %squeeze3A = vector.shape_cast %get3A_17 : vector<2000x1xi32> to vector<2000xi32>
    %iota3A = tpu.iota {dimensions = array<i32: 0>} : vector<64x2000xi32>
    %broadcast_in_dim3A = vector.shape_cast %squeeze3A : vector<2000xi32> to vector<1x2000xi32>
    %eq3A = vector.broadcast %broadcast_in_dim3A : vector<1x2000xi32> to vector<64x2000xi32>
    %eq3A_18 = arith.cmpi eq, %eq3A, %iota3A : vector<64x2000xi32>
    %convert_element_type3A = arith.extui %eq3A_18 : vector<64x2000xi1> to vector<64x2000xi32>
    %convert_element_type3A_19 = arith.sitofp %convert_element_type3A : vector<64x2000xi32> to vector<64x2000xf32>
    %dot_general3A = arith.constant dense<0.000000e+00> : vector<64x256xf32>
    %dot_general3A_20 = tpu.matmul %convert_element_type3A_19, %max3A_14, %dot_general3A {dimension_numbers = #tpu.dot_dimension_numbers<[1], [0], [0], [1], [0, 0, 1, 1], [], []>, transpose_lhs_hint = false} : vector<64x2000xf32>, vector<2000x256xf32>, vector<64x256xf32> -> vector<64x256xf32>
    %reduce_sum3A = arith.constant dense<0.000000e+00> : vector<64xf32>
    %reduce_sum3A_21 = vector.multi_reduction <add>, %convert_element_type3A_19, %reduce_sum3A [1] : vector<64x2000xf32> to vector<64xf32>
    %broadcast_in_dim3A_22 = vector.shape_cast %reduce_sum3A_21 : vector<64xf32> to vector<64x1xf32>
    %eq3A_23 = arith.constant 0 : i32
    %eq3A_24 = arith.cmpi eq, %arg0, %eq3A_23 : i32
    %convert_element_type3A_25 = arith.extui %eq3A_24 : i1 to i32
    %cond3A = arith.constant 0 : i32
    %cond3A_26 = arith.cmpi ne, %convert_element_type3A_25, %cond3A : i32
    scf.if %cond3A_26 {
      %swap3A = arith.constant 0 : index
      %swap3A_36 = arith.constant 0 : index
      %swap3A_37 = vector.load %arg9[%swap3A, %swap3A_36] : memref<64x256xf32, #tpu.memory_space<vmem>>, vector<64x256xf32>
      tpu.vector_store %arg9[%swap3A, %swap3A_36], %dot_general3A_20 {strides = array<i32>} : memref<64x256xf32, #tpu.memory_space<vmem>>, vector<64x256xf32>,
      %swap3A_38 = arith.constant 0 : index
      %swap3A_39 = arith.constant 0 : index
      %swap3A_40 = vector.load %arg10[%swap3A_38, %swap3A_39] : memref<64x1xf32, #tpu.memory_space<vmem>>, vector<64x1xf32>
      tpu.vector_store %arg10[%swap3A_38, %swap3A_39], %broadcast_in_dim3A_22 {strides = array<i32>} : memref<64x1xf32, #tpu.memory_space<vmem>>, vector<64x1xf32>,
    } else {
    }
    %gt3A = arith.constant 0 : i32
    %gt3A_27 = arith.cmpi sgt, %arg0, %gt3A : i32
    %convert_element_type3A_28 = arith.extui %gt3A_27 : i1 to i32
    %cond3A_29 = arith.constant 0 : i32
    %cond3A_30 = arith.cmpi ne, %convert_element_type3A_28, %cond3A_29 : i32
    scf.if %cond3A_30 {
      %get3A_36 = arith.constant 0 : index
      %get3A_37 = arith.constant 0 : index
      %get3A_38 = vector.load %arg9[%get3A_36, %get3A_37] : memref<64x256xf32, #tpu.memory_space<vmem>>, vector<64x256xf32>
      %add3A_39 = arith.addf %get3A_38, %dot_general3A_20 : vector<64x256xf32>
      %swap3A = arith.constant 0 : index
      %swap3A_40 = arith.constant 0 : index
      %swap3A_41 = vector.load %arg9[%swap3A, %swap3A_40] : memref<64x256xf32, #tpu.memory_space<vmem>>, vector<64x256xf32>
      tpu.vector_store %arg9[%swap3A, %swap3A_40], %add3A_39 {strides = array<i32>} : memref<64x256xf32, #tpu.memory_space<vmem>>, vector<64x256xf32>,
      %get3A_42 = arith.constant 0 : index
      %get3A_43 = arith.constant 0 : index
      %get3A_44 = vector.load %arg10[%get3A_42, %get3A_43] : memref<64x1xf32, #tpu.memory_space<vmem>>, vector<64x1xf32>
      %add3A_45 = arith.addf %get3A_44, %broadcast_in_dim3A_22 : vector<64x1xf32>
      %swap3A_46 = arith.constant 0 : index
      %swap3A_47 = arith.constant 0 : index
      %swap3A_48 = vector.load %arg10[%swap3A_46, %swap3A_47] : memref<64x1xf32, #tpu.memory_space<vmem>>, vector<64x1xf32>
      tpu.vector_store %arg10[%swap3A_46, %swap3A_47], %add3A_45 {strides = array<i32>} : memref<64x1xf32, #tpu.memory_space<vmem>>, vector<64x1xf32>,
    } else {
    }
    %eq3A_31 = arith.constant 4 : i32
    %eq3A_32 = arith.cmpi eq, %arg0, %eq3A_31 : i32
    %convert_element_type3A_33 = arith.extui %eq3A_32 : i1 to i32
    %cond3A_34 = arith.constant 0 : i32
    %cond3A_35 = arith.cmpi ne, %convert_element_type3A_33, %cond3A_34 : i32
    scf.if %cond3A_35 {
      %get3A_36 = arith.constant 0 : index
      %get3A_37 = arith.constant 0 : index
      %get3A_38 = vector.load %arg9[%get3A_36, %get3A_37] : memref<64x256xf32, #tpu.memory_space<vmem>>, vector<64x256xf32>
      %get3A_39 = arith.constant 0 : index
      %get3A_40 = arith.constant 0 : index
      %get3A_41 = vector.load %arg10[%get3A_39, %get3A_40] : memref<64x1xf32, #tpu.memory_space<vmem>>, vector<64x1xf32>
      %max3A_42 = arith.constant 1.000000e+00 : f32
      %max3A_43 = vector.broadcast %max3A_42 : f32 to vector<64x1xf32>
      %max3A_44 = arith.maximumf %get3A_41, %max3A_43 : vector<64x1xf32>
      %div3A = vector.broadcast %max3A_44 : vector<64x1xf32> to vector<64x256xf32>
      %div3A_45 = arith.divf %get3A_38, %div3A : vector<64x256xf32>
      %get3A_46 = arith.constant 0 : index
      %get3A_47 = arith.constant 0 : index
      %get3A_48 = vector.load %arg6[%get3A_46, %get3A_47] : memref<256x10xf32, #tpu.memory_space<vmem>>, vector<256x10xf32>
      %dot_general3A_49 = arith.constant dense<0.000000e+00> : vector<64x10xf32>
      %dot_general3A_50 = tpu.matmul %div3A_45, %get3A_48, %dot_general3A_49 {dimension_numbers = #tpu.dot_dimension_numbers<[1], [0], [0], [1], [0, 0, 1, 1], [], []>, transpose_lhs_hint = false} : vector<64x256xf32>, vector<256x10xf32>, vector<64x10xf32> -> vector<64x10xf32>
      %get3A_51 = arith.constant 0 : index
      %get3A_52 = arith.constant 0 : index
      %get3A_53 = vector.load %arg7[%get3A_51, %get3A_52] : memref<1x10xf32, #tpu.memory_space<vmem>>, vector<1x10xf32>
      %add3A_54 = vector.broadcast %get3A_53 : vector<1x10xf32> to vector<64x10xf32>
      %add3A_55 = arith.addf %dot_general3A_50, %add3A_54 : vector<64x10xf32>
      %swap3A = arith.constant 0 : index
      %swap3A_56 = arith.constant 0 : index
      %swap3A_57 = vector.load %arg8[%swap3A, %swap3A_56] : memref<64x10xf32, #tpu.memory_space<vmem>>, vector<64x10xf32>
      tpu.vector_store %arg8[%swap3A, %swap3A_56], %add3A_55 {strides = array<i32>} : memref<64x10xf32, #tpu.memory_space<vmem>>, vector<64x10xf32>,
    } else {
    }
    return
  }
  func.func @transform_0(%arg0: i32) -> (i32, i32) {
    %c0_i32 = arith.constant 0 : i32
    %c0_i32_0 = arith.constant 0 : i32
    return %arg0, %c0_i32 : i32, i32
  }
  func.func @transform_1(%arg0: i32) -> (i32, i32) {
    %c0_i32 = arith.constant 0 : i32
    %c0_i32_0 = arith.constant 0 : i32
    return %arg0, %c0_i32 : i32, i32
  }
  func.func @transform_2(%arg0: i32) -> (i32, i32) {
    %c0_i32 = arith.constant 0 : i32
    %c0_i32_0 = arith.constant 0 : i32
    return %arg0, %c0_i32 : i32, i32
  }
  func.func @transform_3(%arg0: i32) -> (i32, i32) {
    %c0_i32 = arith.constant 0 : i32
    %c0_i32_0 = arith.constant 0 : i32
    %c0_i32_1 = arith.constant 0 : i32
    return %c0_i32, %c0_i32_0 : i32, i32
  }
  func.func @transform_4(%arg0: i32) -> (i32, i32) {
    %c0_i32 = arith.constant 0 : i32
    %c0_i32_0 = arith.constant 0 : i32
    return %arg0, %c0_i32 : i32, i32
  }
  func.func @transform_5(%arg0: i32) -> (i32, i32) {
    %c0_i32 = arith.constant 0 : i32
    %c0_i32_0 = arith.constant 0 : i32
    %c0_i32_1 = arith.constant 0 : i32
    return %c0_i32, %c0_i32_0 : i32, i32
  }
  func.func @transform_6(%arg0: i32) -> (i32, i32) {
    %c0_i32 = arith.constant 0 : i32
    %c0_i32_0 = arith.constant 0 : i32
    %c0_i32_1 = arith.constant 0 : i32
    return %c0_i32, %c0_i32_0 : i32, i32
  }
  func.func @transform_7(%arg0: i32) -> (i32, i32) {
    %c0_i32 = arith.constant 0 : i32
    %c0_i32_0 = arith.constant 0 : i32
    %c0_i32_1 = arith.constant 0 : i32
    return %c0_i32, %c0_i32_0 : i32, i32
  }
}

</mosaic_0001>

<sc_bundles>
// kernel: kernel.11.cloned.1.call-start
scs
__scs_entry_jumppad:
0x0: {  	(pc) =	sbr.rel $0x88, $3  }
0x1: {  	(tag) =	ssettag $0x0;
	lr =	simm.s32 $0x1  }
0x2: {  	[smem:$0x3F98] =	sst lr;
	_ =	strace $0xD0000000  }
0x3: {  	_ = 	snop  }
0x4: {  	_ = 	snop  }
0x5: {  	_ = 	snop  }
0x6: {  	_ = 	snop  }
0x7: {  	_ = 	snop  }
__scs_overlays_trampoline_lowered:
0x8: {  	[smem:$0x3FA7] =	sst s0  }
0x9: {  	[smem:$0x3FA8] =	sst s1  }
0xa: {  	[smem:$0x3FA9] =	sst s2  }
0xb: {  	[smem:$0x3FAA] =	sst s3  }
0xc: {  	[smem:$0x3FAB] =	sst s4  }
0xd: {  	[smem:$0x3FAC] =	sst s5  }
0xe: {  	[smem:$0x3FAD] =	sst s6  }
0xf: {  	[smem:$0x3FAE] =	sst s7  }
0x10: {  	[smem:$0x3FAF] =	sst s8  }
0x11: {  	[smem:$0x3FB0] =	sst s9;
	s0 =	simm.s32 @!p0 $0x0  }
0x12: {  	s1 =	sld [smem:$0x3F96];
	s0 =	simm.s32 @p0 $0x1  }
0x13: {  	[smem:$0x3FB1] =	sst s0;
	s0 =	simm.s32 @!p1 $0x0  }
0x14: {  	s2 =	sld [smem:$0x3F95];
	s0 =	simm.s32 @p1 $0x1  }
0x15: {  	[smem:$0x3FB2] =	sst s0;
	s0 =	simm.s32 @!p2 $0x0  }
0x16: {  	s3 =	sld [smem:$0x3FDB];
	s0 =	simm.s32 @p2 $0x1  }
0x17: {  	s4 =	simm.s32 $0x1BF5;
	[smem:$0x3FB4] =	sst s0  }
0x18: {  	s0 =	sld [smem:$0x3F97];
	_ =	swait.ge [sflag:s4], $0x0  }
0x19: {  	s7 =	sld [smem:$0x3F98]  }
0x1a: {  	s8 =	sadd.s32 $0xFFFFE003, lr  }
0x1b: {  	s9 =	sadd.s32 $0xFFFFFEF7, lr;
	s5 =	simm.s32 $0xFFFFFFFF;
	p2 =	slt.u32 s8, $0xFFFFF086  }
0x1c: {  	p1 =	slt.u32 s9, $0xF7A;
	s5 =	simm.s32 @!p2 $0x0  }
0x1d: {  	s5 =	simm.s32 @p1 $0x1;
	p0 =	seq.s32 s7, s2  }
0x1e: {  	s7 =	smul.u32 @!p0 $0xF7A, s2;
	p2 =	seq.s32 @!p0 s5, $0x0  }
0x1f: {  	s9 =	smul.u32 $0xF7A, s1;
	s8 =	simm.s32 @!p0 $0x1BF5;
	p2 =	por !p2, p0  }
0x20: {  	[sflag:s8] =	ssyncset.s32 @!p0 $0xFFFFF086;
	s6 =	sadd.s32 @!p0 s3, s7;
	s7 =	simm.s32 @!p0 $0x108  }
0x21: {  	s3 =	sadd.s32 s3, s9;
	s6 =	sadd.s32 @!p0 $0x88, s6;
	s7 =	simm.s32 @p2 $0x1082  }
0x22: {  	[simem:s7], [sflag:s8] =	dma.local @!p0 [hbm:s6], $0xF7A  }
0x23: {  	s9 =	sor.u32 $0xD0000000, s2;
	s6 =	simm.s32 $0x108;
	_ =	swait.ge @!p0 [sflag:s8], $0x0  }
0x24: {  	s3 =	sadd.s32 $0x88, s3;
	s6 =	simm.s32 @!p1 $0x1082;
	[sflag:s4] =	ssyncset.s32 $0xFFFFF086  }
0x25: {  	[simem:s6], [sflag:s4] =	dma.local [hbm:s3], $0xF7A  }
0x26: {  	[smem:$0x3F98] =	sst s1;
	(tag) =	ssettag s2;
	_ =	strace s9  }
0x27: {  	s1 =	sld [smem:$0x3FA8]  }
0x28: {  	s2 =	sld [smem:$0x3FA9]  }
0x29: {  	s4 =	sld [smem:$0x3FAB]  }
0x2a: {  	p0 =	seq.s32 s5, $0x0;
	s5 =	sld [smem:$0x3FAC]  }
0x2b: {  	s6 =	sld [smem:$0x3FAD]  }
0x2c: {  	s7 =	sld [smem:$0x3FAE]  }
0x2d: {  	s3 =	simm.s32 $0x108;
	s8 =	sld [smem:$0x3FAF]  }
0x2e: {  	s3 =	simm.s32 @!p0 $0x1082;
	s9 =	sld [smem:$0x3FB0]  }
0x2f: {  	lr =	sadd.s32 s0, s3;
	s0 =	sld [smem:$0x3FA7]  }
0x30: {  	s3 =	sld [smem:$0x3FAA]  }
0x31: {  	[smem:$0x3FB3] =	sst s10  }
0x32: {  	s10 =	sld [smem:$0x3FB1];
	_ =	sdelay $0x3  }
0x33: {  	p0 =	seq.s32 s10, $0x1;
	s10 =	sld [smem:$0x3FB3];
	_ =	sdelay $0x3  }
0x34: {  	[smem:$0x3FB3] =	sst s10  }
0x35: {  	s10 =	sld [smem:$0x3FB2];
	_ =	sdelay $0x3  }
0x36: {  	p1 =	seq.s32 s10, $0x1;
	s10 =	sld [smem:$0x3FB3];
	_ =	sdelay $0x3  }
0x37: {  	[smem:$0x3FB3] =	sst s10  }
0x38: {  	s10 =	sld [smem:$0x3FB4]  }
0x39: {  	_ = 	snop;
	(pc) =	sbr.ind lr, $3  }
0x3a: {  	_ = 	snop  }
0x3b: {  	_ = 	snop  }
0x3c: {  	p2 =	seq.s32 s10, $0x1;
	s10 =	sld [smem:$0x3FB3]  }
0x3d: {  	_ =	shalt  }
0x3e: {  	_ =	shalt  }
0x3f: {  	_ =	shalt  }
0x40: {  	_ =	shalt  }
0x41: {  	_ =	shalt  }
0x42: {  	_ =	shalt  }
0x43: {  	_ =	shalt  }
0x44: {  	_ =	shalt  }
0x45: {  	_ =	shalt  }
0x46: {  	_ =	shalt  }
0x47: {  	_ =	shalt  }
0x48: {  	_ =	shalt  }
0x49: {  	_ =	shalt  }
0x4a: {  	_ =	shalt  }
0x4b: {  	_ =	shalt  }
0x4c: {  	_ =	shalt  }
0x4d: {  	_ =	shalt  }
0x4e: {  	_ =	shalt  }
0x4f: {  	_ =	shalt  }
0x50: {  	_ =	shalt  }
0x51: {  	_ =	shalt  }
0x52: {  	_ =	shalt  }
0x53: {  	_ =	shalt  }
0x54: {  	_ =	shalt  }
0x55: {  	_ =	shalt  }
0x56: {  	_ =	shalt  }
0x57: {  	_ =	shalt  }
0x58: {  	_ =	shalt  }
0x59: {  	_ =	shalt  }
0x5a: {  	_ =	shalt  }
0x5b: {  	_ =	shalt  }
0x5c: {  	_ =	shalt  }
0x5d: {  	_ =	shalt  }
0x5e: {  	_ =	shalt  }
0x5f: {  	_ =	shalt  }
0x60: {  	_ =	shalt  }
0x61: {  	_ =	shalt  }
0x62: {  	_ =	shalt  }
0x63: {  	_ =	shalt  }
0x64: {  	_ =	shalt  }
0x65: {  	_ =	shalt  }
0x66: {  	_ =	shalt  }
0x67: {  	_ =	shalt  }
0x68: {  	_ =	shalt  }
0x69: {  	_ =	shalt  }
0x6a: {  	_ =	shalt  }
0x6b: {  	_ =	shalt  }
0x6c: {  	_ =	shalt  }
0x6d: {  	_ =	shalt  }
0x6e: {  	_ =	shalt  }
0x6f: {  	_ =	shalt  }
0x70: {  	_ =	shalt  }
0x71: {  	_ =	shalt  }
0x72: {  	_ =	shalt  }
0x73: {  	_ =	shalt  }
0x74: {  	_ =	shalt  }
0x75: {  	_ =	shalt  }
0x76: {  	_ =	shalt  }
0x77: {  	_ =	shalt  }
0x78: {  	_ =	shalt  }
0x79: {  	_ =	shalt  }
0x7a: {  	_ =	shalt  }
0x7b: {  	_ =	shalt  }
0x7c: {  	_ =	shalt  }
0x7d: {  	_ =	shalt  }
0x7e: {  	_ =	shalt  }
0x7f: {  	_ =	shalt  }
0x80: {  	_ =	shalt  }
0x81: {  	_ =	shalt  }
0x82: {  	_ =	shalt  }
0x83: {  	_ =	shalt  }
0x84: {  	_ =	shalt  }
0x85: {  	_ =	shalt  }
0x86: {  	_ =	shalt  }
0x87: {  	_ =	shalt  }
.Lfunc_end0:
.L_simem_size_0:
called_computation.1_lowered:
.L_overlay_start_0:
0x88: {  	s2 =	sld [smem:$0x3FD9]  }
0x89: {  	s3 =	sld [smem:$0x3FFE];
	_ =	sdelay $0x1  }
0x8a: {  	s1 =	srdreg.scid  }
0x8b: {  	s0 =	sand.u32 $0x1, s1  }
0x8c: {  	s16 =	sshll.u32 s0, $0xA;
	s2 =	sadd.s32 s3, s2  }
0x8d: {  	s2 =	sadd.s32 s2, s16  }
0x8e: {  	[smem:$0x3FBF] =	sst s2  }
0x8f: {  	_ = 	snop  }
0x90: {  	(tm) =	ssettm $0x1  }
0x91: {  	s17 =	sld [smem:$0x3FFB];
	_ =	sdelay $0x3  }
0x92: {  	_ =	strace s17  }
0x93: {  	s2 =	sld [smem:$0x3FFC];
	_ =	sdelay $0x3  }
0x94: {  	_ =	strace s2  }
0x95: {  	s2 =	sld [smem:$0x3FFD];
	_ =	sdelay $0x3  }
0x96: {  	_ =	strace s2  }
0x97: {  	_ =	strace $0x8FFFFFFF  }
0x98: {  	s18 =	sld [smem:$0x3FDB];
	_ =	sdelay $0x1  }
0x99: {  	s19 =	simm.s32 $_scs_section_size  }
0x9a: {  	s4 =	simm.s32 $_size__tile_overlayer_lowered;
	s5 =	simm.s32 $_tile_overlayer_lowered  }
0x9b: {  	s22 =	simm.s32 $0x1BFF;
	s21 =	sshll.u32 s5, $0x1;
	s2 =	sadd.s32 s19, s18  }
0x9c: {  	s6 =	simm.s32 $0x0;
	s20 =	sshll.u32 s4, $0x1;
	s4 =	sadd.s32 s21, s2  }
0x9d: {  	[timem:s6], [sflag:s22] =	dma.local [hbm:s4], s20  }
0x9e: {  	_ =	swait.ge [sflag:s22], s20  }
0x9f: {  	s3 =	ssub.s32 $0x0, s20;
	[sflag:s22] =	ssyncset.done $0x0  }
0xa0: {  	[sflag:s22] =	ssyncadd.s32 s3;
	_ =	sdelay $0x1  }
0xa1: {  	s23 =	simm.s32 $0x1B8B  }
0xa2: {  	_ =	swait.ge [sflag:s23], $0x1  }
0xa3: {  	[sflag:s23] =	ssyncset.done $0x0  }
0xa4: {  	s25 =	simm.s32 $0x1B8E;
	s24 =	sld [smem:$0x3FFE];
	[sflag:s23] =	ssyncadd.s32 $0xFFFFFFFF  }
0xa5: {  	s26 =	simm.s32 $execute0_lowered;
	[smem:$0x3FD2] =	sst s25  }
0xa6: {  	s4 =	sshll.u32 s26, $0x1;
	_ =	strace $0x80000049;
	[dreg:$0x1] =	wrdreg $0xFFFFFFFF  }
0xa7: {  	s28 =	simm.s32 $_size_execute0_lowered;
	s2 =	sadd.s32 s2, s4;
	[dreg:$0x0] =	wrdreg $0x0  }
0xa8: {  	s4 =	sshll.u32 s28, $0x1;
	[dreg:$0x2] =	wrdreg s2  }
0xa9: {  	[dreg:$0x3] =	wrdreg s4  }
0xaa: {  	[dreg:$0x4] =	wrdreg $0xC0  }
0xab: {  	_ =	task [dreg:s6], $0x5FFFF  }
0xac: {  	[dreg:$0x1] =	wrdreg $0xFFFFFFFF  }
0xad: {  	[dreg:$0x0] =	wrdreg $0x60  }
0xae: {  	[dreg:$0x2] =	wrdreg s24  }
0xaf: {  	[dreg:$0x3] =	wrdreg $0xA0000  }
0xb0: {  	[dreg:$0x4] =	wrdreg $0x9  }
0xb1: {  	_ =	task.clear_ibuf [dreg:s6], $0x5FFFF;
	_ =	strace $0x90000049  }
0xb2: {  	s29 =	simm.s32 $0x9;
	_ =	strace $0x8000004B  }
0xb3: {  	_ =	swait.ge [sflag:s29], $0x1  }
0xb4: {  	[sflag:s29] =	ssyncadd.s32 $0xFFFFFFFF  }
0xb5: {  	_ =	strace $0x9000004B  }
0xb6: {  	_ =	sfence  }
0xb7: {  	s30 =	sld [smem:$0x0];
	_ =	sdelay $0x2  }
0xb8: {  	s31 =	sshll.u32 s1, $0xD;
	s1 =	sshrl.u32 s1, $0x2  }
0xb9: {  	s3 =	sand.u32 $0x4000, s31;
	s1 =	sadd.s32 s1, s30  }
0xba: {  	s0 =	sor.u32 s3, s0;
	s1 =	sshll.u32 s1, $0x11  }
0xbb: {  	s0 =	sor.u32 s1, s0  }
0xbc: {  	s0 =	sadd.s32 $0x8F2B, s0  }
0xbd: {  	[sflag:s0] =	ssyncadd.remote.s32 $0x1  }
0xbe: {  	_ =	sfence.sel $0xFFFF  }
0xbf: {  	[dreg:$0x0] =	wrdreg $0xFFFFFFFF;
	(pc) =	sbr.abs _section_cstart, $3  }
0xc0: {  	[dreg:$0x1] =	wrdreg $0xFFFFFFFF  }
0xc1: {  	_ =	task.clear_ibuf [dreg:s6], $0x2FFFF;
	_ =	strace $0x9FFFFFFF  }
0xc2: {  	(tm) =	ssettm $0x7FFFFFFF  }
0xc3: {  	_ =	shalt  }
tec
execute0_lowered:
.L_overlay_start_1:
0x0: {  	(tag) =	ssettag $0x1  }
0x1: {  	s7 =	rddreg [dreg:$0x0]  }
0x2: {  	s2 =	rddreg [dreg:$0x1]  }
0x3: {  	s0 =	rddreg [dreg:$0x2];
	s3 =	simm.s32 $0x0;
	s1 =	stileid.u32  }
0x4: {  	s8 =	srdreg.scid;
	s14 =	simm.s32 $0x3800;
	s15 =	simm.s32 $0x2  }
0x5: {  	s18 =	simm.s32 $0x60;
	s19 =	simm.s32 $0x7000;
	s20 =	simm.s32 $0x1  }
0x6: {  	s21 =	simm.s32 $0x0;
	[smem:$0x7FF] =	sst s3;
	s6 =	smul.u32 $0xE00, s1  }
0x7: {  	s4 =	sadd.s32 $0x2AC00, s7;
	s5 =	sadd.s32 $0x2C00, s7;
	s11 =	smul.u32 $0x50000, s1  }
0x8: {  	s10 =	sand.u32 $0x1, s8;
	s8 =	smul.u32 $0x2800, s1;
	s16 =	sshll.u32 s1, $0x6  }
0x9: {  	_ =	strace $0x8000004A;
	s9 =	ssub.s32 $0x2, s10;
	p0 =	seq.s32 s10, $0x1  }
.Ltmp0:
0xa: {  	s16 =	sor.u32 $0x1C02, s16;
	s13 =	sadd.s32 s6, s7;
	(pc) =	sbr.rel .LBB2_1-.Ltmp0, $4  }
0xb: {  	s6 =	sadd.s32 $0x66E00, s7;
	s7 =	sadd.s32 $0x8EE00, s7;
	s12 =	sshrl.u32 s9, $0x1  }
0xc: {  	s11 =	sshrl.u32 s11, $0x2;
	s10 =	sadd.s32 s4, s8;
	s12 =	ssub.s32 s9, s12  }
0xd: {  	s9 =	sadd.s32 $0x58E00, s13;
	s17 =	sadd.s32 s11, s2;
	s11 =	sadd.s32 s5, s8  }
0xe: {  	s13 =	sadd.s32 $0x59500, s13;
	s12 =	smax.u32 s12, $0x1;
	s17 =	sshrl.u32 s17, $0x3  }
.LBB2_7:
0xf: {  	s22 =	sshra.s32 s22, $0x2;
	[sflag:s15] =	ssyncadd.s32 $0xFFFFD000  }
0x10: {  	[tilespmem:s19], [sflag:$0x1] =	stream.indirect.gather [hbm4b:s5+s18], $0x80, s22, s18, $0xb8;
	[tilespmem:$0x1E000] =	vst v63  }
0x11: {  	_ =	swait.ge [sflag:s20], $0x3000  }
0x12: {  	[sflag:s20] =	ssyncset.done $0x0  }
0x13: {  	s22 =	sadd.s32 $0x3800, s22;
	[sflag:s20] =	ssyncadd.s32 $0xFFFFD000  }
0x14: {  	[spmem:s2] =	stream.indirect.scatter.add.f32 [tilespmem:s19], [sflag:$0x2], $0x80, s22, s18, $0xb8;
	[tilespmem:$0x1E000] =	vst v63  }
0x15: {  	_ =	swait.ge [sflag:s15], $0x3000  }
0x16: {  	[sflag:s15] =	ssyncset.done $0x0  }
0x17: {  	s22 =	smov.u32 s7;
	[sflag:s15] =	ssyncadd.s32 $0xFFFFD000  }
.LBB2_8:
0x18: {  	s21 =	sadd.s32 $0x1, s21  }
0x19: {  	p1 =	sne.s32 s21, s12  }
.Ltmp1:
0x1a: {  	s22 =	sadd.s32 s22, s8;
	[bflag:$0x0] =	sbarrier.arrive $0xFFFF;
	(pc) =	sbr.rel @!p1 .LBB2_9-.Ltmp1, $4  }
0x1b: {  	[hbm:s22], [sflag:s16] =	dma.local [spmem:s17], $0x2800  }
0x1c: {  	_ =	swait.ge [sflag:s15], $0x2800  }
0x1d: {  	[sflag:s15] =	ssyncset.done $0x0  }
0x1e: {  	[sflag:s15] =	ssyncadd.s32 $0xFFFFD800  }
.LBB2_1:
0x1f: {  	[tilespmem:s3], [sflag:$0x2] =	stream.linear.gather [hbm4b:s9+s3], $0x3480, $0x38;
	[tilespmem:$0x1E000] =	vst v63  }
.Ltmp2:
0x20: {  	_ = 	snop;
	(pc) =	sbr.rel @!p0 .LBB2_2-.Ltmp2, $4  }
0x21: {  	[tilespmem:s14], [sflag:$0x2] =	stream.linear.gather [hbm4b:s13+s3], $0x3480, $0x38;
	[tilespmem:$0x1E000] =	vst v63  }
0x22: {  	_ =	swait.ge [sflag:s15], $0x6900  }
0x23: {  	[sflag:s15] =	ssyncset.done $0x0  }
0x24: {  	[sflag:s15] =	ssyncadd.s32 $0xFFFF9700  }
0x25: {  	[spmem:s17], [sflag:s16] =	dma.local [hbm:s11], $0x2800  }
0x26: {  	_ =	swait.ge [sflag:s15], $0x2800  }
0x27: {  	[sflag:s15] =	ssyncset.done $0x0  }
0x28: {  	[sflag:s15] =	ssyncadd.s32 $0xFFFFD800  }
0x29: {  	s22 =	simm.s32 $0x0;
	[bflag:$0x0] =	sbarrier.arrive $0xFFFF  }
0x2a: {  	[tilespmem:s19], [sflag:$0x1] =	stream.indirect.gather [hbm4b:s5+s18], $0x80, s22, s18, $0xb8;
	[tilespmem:$0x1E000] =	vst v63  }
0x2b: {  	_ =	swait.ge [sflag:s20], $0x3000  }
0x2c: {  	[sflag:s20] =	ssyncset.done $0x0  }
0x2d: {  	s31 =	simm.s32 $0x3800;
	[sflag:s20] =	ssyncadd.s32 $0xFFFFD000  }
0x2e: {  	[spmem:s2] =	stream.indirect.scatter.add.f32 [tilespmem:s19], [sflag:$0x2], $0x80, s31, s18, $0xb8;
	[tilespmem:$0x1E000] =	vst v63  }
0x2f: {  	_ =	swait.ge [sflag:s15], $0x3000  }
0x30: {  	s23 =	simm.s32 $0x400;
	s22 =	simm.s32 $0x200;
	[sflag:s15] =	ssyncset.done $0x0  }
.LBB2_6:
0x31: {  	s24 =	sshra.s32 s22, $0x2  }
0x32: {  	[sflag:s15] =	ssyncadd.s32 $0xFFFFD000;
	s22 =	smov.u32 s23;
	s25 =	sadd.s32 $0x200, s23  }
0x33: {  	[tilespmem:s19], [sflag:$0x1] =	stream.indirect.gather [hbm4b:s5+s18], $0x80, s24, s18, $0xb8;
	[tilespmem:$0x1E000] =	vst v63  }
0x34: {  	p1 =	sne.s32 s23, $0xD000;
	_ =	swait.ge [sflag:s20], $0x3000  }
.Ltmp3:
0x35: {  	[sflag:s20] =	ssyncset.done $0x0;
	(pc) =	sbr.rel @p1 .LBB2_6-.Ltmp3, $4  }
0x36: {  	s23 =	sadd.s32 $0x3800, s24;
	[sflag:s20] =	ssyncadd.s32 $0xFFFFD000  }
0x37: {  	[spmem:s2] =	stream.indirect.scatter.add.f32 [tilespmem:s19], [sflag:$0x2], $0x80, s23, s18, $0xb8;
	[tilespmem:$0x1E000] =	vst v63  }
0x38: {  	_ =	swait.ge [sflag:s15], $0x3000  }
0x39: {  	s23 =	smov.u32 s25;
	[sflag:s15] =	ssyncset.done $0x0  }
.Ltmp4:
0x3a: {  	_ = 	snop;
	(pc) =	sbr.rel .LBB2_7-.Ltmp4, $1  }
0x3b: {  	_ =	sdelay $0x3  }
.LBB2_2:
0x3c: {  	[spmem:s17], [sflag:s16] =	dma.local [hbm:s10], $0x2800  }
0x3d: {  	_ =	swait.ge [sflag:s15], $0x2800  }
0x3e: {  	[sflag:s15] =	ssyncset.done $0x0  }
0x3f: {  	[sflag:s15] =	ssyncadd.s32 $0xFFFFD800  }
0x40: {  	s22 =	simm.s32 $0x0;
	[bflag:$0x0] =	sbarrier.arrive $0xFFFF  }
0x41: {  	[tilespmem:s19], [sflag:$0x1] =	stream.indirect.gather [hbm4b:s4+s18], $0x80, s22, s18, $0xb8;
	[tilespmem:$0x1E000] =	vst v63  }
0x42: {  	_ =	swait.ge [sflag:s20], $0x3000  }
0x43: {  	[sflag:s20] =	ssyncset.done $0x0  }
0x44: {  	s31 =	simm.s32 $0x3800;
	[sflag:s20] =	ssyncadd.s32 $0xFFFFD000  }
0x45: {  	[spmem:s2] =	stream.indirect.scatter.add.f32 [tilespmem:s19], [sflag:$0x2], $0x80, s31, s18, $0xb8;
	[tilespmem:$0x1E000] =	vst v63  }
0x46: {  	_ =	swait.ge [sflag:s15], $0x3000  }
0x47: {  	s23 =	simm.s32 $0x400;
	s22 =	simm.s32 $0x200;
	[sflag:s15] =	ssyncset.done $0x0  }
.LBB2_3:
0x48: {  	s24 =	sshra.s32 s22, $0x2  }
0x49: {  	[sflag:s15] =	ssyncadd.s32 $0xFFFFD000;
	s22 =	smov.u32 s23;
	s25 =	sadd.s32 $0x200, s23  }
0x4a: {  	[tilespmem:s19], [sflag:$0x1] =	stream.indirect.gather [hbm4b:s4+s18], $0x80, s24, s18, $0xb8;
	[tilespmem:$0x1E000] =	vst v63  }
0x4b: {  	p1 =	seq.s32 s23, $0xD000;
	_ =	swait.ge [sflag:s20], $0x3000  }
.Ltmp5:
0x4c: {  	[sflag:s20] =	ssyncset.done $0x0;
	(pc) =	sbr.rel @!p1 .LBB2_3-.Ltmp5, $4  }
0x4d: {  	s23 =	sadd.s32 $0x3800, s24;
	[sflag:s20] =	ssyncadd.s32 $0xFFFFD000  }
0x4e: {  	[spmem:s2] =	stream.indirect.scatter.add.f32 [tilespmem:s19], [sflag:$0x2], $0x80, s23, s18, $0xb8;
	[tilespmem:$0x1E000] =	vst v63  }
0x4f: {  	_ =	swait.ge [sflag:s15], $0x3000  }
0x50: {  	s23 =	smov.u32 s25;
	[sflag:s15] =	ssyncset.done $0x0  }
0x51: {  	s22 =	sshra.s32 s22, $0x2;
	[sflag:s15] =	ssyncadd.s32 $0xFFFFD000  }
0x52: {  	[tilespmem:s19], [sflag:$0x1] =	stream.indirect.gather [hbm4b:s4+s18], $0x80, s22, s18, $0xb8;
	[tilespmem:$0x1E000] =	vst v63  }
0x53: {  	_ =	swait.ge [sflag:s20], $0x3000  }
0x54: {  	[sflag:s20] =	ssyncset.done $0x0  }
.Ltmp6:
0x55: {  	s22 =	sadd.s32 $0x3800, s22;
	[sflag:s20] =	ssyncadd.s32 $0xFFFFD000;
	(pc) =	sbr.rel .LBB2_8-.Ltmp6, $4  }
0x56: {  	[spmem:s2] =	stream.indirect.scatter.add.f32 [tilespmem:s19], [sflag:$0x2], $0x80, s22, s18, $0xb8;
	[tilespmem:$0x1E000] =	vst v63  }
0x57: {  	_ =	swait.ge [sflag:s15], $0x3000  }
0x58: {  	[sflag:s15] =	ssyncset.done $0x0  }
0x59: {  	s22 =	smov.u32 s6;
	[sflag:s15] =	ssyncadd.s32 $0xFFFFD000  }
.LBB2_9:
0x5a: {  	_ =	sfence.sel $0x180000  }
0x5b: {  	[bflag:$0x0] =	sbarrier.arrive $0xFFFF  }
0x5c: {  	p0 =	sne.s32 s1, $0x0;
	_ =	strace $0x9000004A  }
0x5d: {  	s0 =	sadd.s32 @!p0 $0x100000, s0;
	[bflag:$0x2] =	sbarrier.arrive $0xFFFF  }
0x5e: {  	[sflag:s0] =	ssyncadd.tile.s32 @!p0 $0x1;
	_ =	shalt  }
.Lfunc_end2:
_tile_overlayer_lowered:
.L_overlay_start_2:
0x5f: {  	(tag) =	ssettag $0x2  }
0x60: {  	s0 =	rddreg [dreg:$0x0];
	s2 =	stileid.u32  }
0x61: {  	s1 =	rddreg [dreg:$0x1];
	p0 =	sne.s32 s2, $0x0  }
0x62: {  	s3 =	rddreg [dreg:$0x2];
	[bflag:$0x3] =	sbarrier.arrive $0xFFFF;
	s2 =	simm.s32 @!p0 $0x1C02  }
0x63: {  	[timem:s3], [sflag:s2] =	dma.local @!p0 [hbm:s0], s1  }
0x64: {  	s0 =	simm.s32 @!p0 $0x2  }
0x65: {  	_ =	swait.ge @!p0 [sflag:s0], s1  }
0x66: {  	s1 =	ssub.s32 @!p0 $0x0, s1;
	[sflag:s0] =	ssyncset.done @!p0 $0x0  }
0x67: {  	[sflag:s0] =	ssyncadd.s32 @!p0 s1  }
0x68: {  	[bflag:$0x3] =	sbarrier.arrive $0xFFFF  }
0x69: {  	_ =	shalt  }

// kernel: kernel.14.cloned.1.call-start
scs
__scs_entry_jumppad:
0x0: {  	(pc) =	sbr.rel $0x88, $3  }
0x1: {  	(tag) =	ssettag $0x0;
	lr =	simm.s32 $0x1  }
0x2: {  	[smem:$0x3F98] =	sst lr;
	_ =	strace $0xD0000000  }
0x3: {  	_ = 	snop  }
0x4: {  	_ = 	snop  }
0x5: {  	_ = 	snop  }
0x6: {  	_ = 	snop  }
0x7: {  	_ = 	snop  }
__scs_overlays_trampoline_lowered:
0x8: {  	[smem:$0x3FA7] =	sst s0  }
0x9: {  	[smem:$0x3FA8] =	sst s1  }
0xa: {  	[smem:$0x3FA9] =	sst s2  }
0xb: {  	[smem:$0x3FAA] =	sst s3  }
0xc: {  	[smem:$0x3FAB] =	sst s4  }
0xd: {  	[smem:$0x3FAC] =	sst s5  }
0xe: {  	[smem:$0x3FAD] =	sst s6  }
0xf: {  	[smem:$0x3FAE] =	sst s7  }
0x10: {  	[smem:$0x3FAF] =	sst s8  }
0x11: {  	[smem:$0x3FB0] =	sst s9;
	s0 =	simm.s32 @!p0 $0x0  }
0x12: {  	s1 =	sld [smem:$0x3F96];
	s0 =	simm.s32 @p0 $0x1  }
0x13: {  	[smem:$0x3FB1] =	sst s0;
	s0 =	simm.s32 @!p1 $0x0  }
0x14: {  	s2 =	sld [smem:$0x3F95];
	s0 =	simm.s32 @p1 $0x1  }
0x15: {  	[smem:$0x3FB2] =	sst s0;
	s0 =	simm.s32 @!p2 $0x0  }
0x16: {  	s3 =	sld [smem:$0x3FDB];
	s0 =	simm.s32 @p2 $0x1  }
0x17: {  	s4 =	simm.s32 $0x1BF5;
	[smem:$0x3FB4] =	sst s0  }
0x18: {  	s0 =	sld [smem:$0x3F97];
	_ =	swait.ge [sflag:s4], $0x0  }
0x19: {  	s7 =	sld [smem:$0x3F98]  }
0x1a: {  	s8 =	sadd.s32 $0xFFFFE003, lr  }
0x1b: {  	s9 =	sadd.s32 $0xFFFFFEF7, lr;
	s5 =	simm.s32 $0xFFFFFFFF;
	p2 =	slt.u32 s8, $0xFFFFF086  }
0x1c: {  	p1 =	slt.u32 s9, $0xF7A;
	s5 =	simm.s32 @!p2 $0x0  }
0x1d: {  	s5 =	simm.s32 @p1 $0x1;
	p0 =	seq.s32 s7, s2  }
0x1e: {  	s7 =	smul.u32 @!p0 $0xF7A, s2;
	p2 =	seq.s32 @!p0 s5, $0x0  }
0x1f: {  	s9 =	smul.u32 $0xF7A, s1;
	s8 =	simm.s32 @!p0 $0x1BF5;
	p2 =	por !p2, p0  }
0x20: {  	[sflag:s8] =	ssyncset.s32 @!p0 $0xFFFFF086;
	s6 =	sadd.s32 @!p0 s3, s7;
	s7 =	simm.s32 @!p0 $0x108  }
0x21: {  	s3 =	sadd.s32 s3, s9;
	s6 =	sadd.s32 @!p0 $0x88, s6;
	s7 =	simm.s32 @p2 $0x1082  }
0x22: {  	[simem:s7], [sflag:s8] =	dma.local @!p0 [hbm:s6], $0xF7A  }
0x23: {  	s9 =	sor.u32 $0xD0000000, s2;
	s6 =	simm.s32 $0x108;
	_ =	swait.ge @!p0 [sflag:s8], $0x0  }
0x24: {  	s3 =	sadd.s32 $0x88, s3;
	s6 =	simm.s32 @!p1 $0x1082;
	[sflag:s4] =	ssyncset.s32 $0xFFFFF086  }
0x25: {  	[simem:s6], [sflag:s4] =	dma.local [hbm:s3], $0xF7A  }
0x26: {  	[smem:$0x3F98] =	sst s1;
	(tag) =	ssettag s2;
	_ =	strace s9  }
0x27: {  	s1 =	sld [smem:$0x3FA8]  }
0x28: {  	s2 =	sld [smem:$0x3FA9]  }
0x29: {  	s4 =	sld [smem:$0x3FAB]  }
0x2a: {  	p0 =	seq.s32 s5, $0x0;
	s5 =	sld [smem:$0x3FAC]  }
0x2b: {  	s6 =	sld [smem:$0x3FAD]  }
0x2c: {  	s7 =	sld [smem:$0x3FAE]  }
0x2d: {  	s3 =	simm.s32 $0x108;
	s8 =	sld [smem:$0x3FAF]  }
0x2e: {  	s3 =	simm.s32 @!p0 $0x1082;
	s9 =	sld [smem:$0x3FB0]  }
0x2f: {  	lr =	sadd.s32 s0, s3;
	s0 =	sld [smem:$0x3FA7]  }
0x30: {  	s3 =	sld [smem:$0x3FAA]  }
0x31: {  	[smem:$0x3FB3] =	sst s10  }
0x32: {  	s10 =	sld [smem:$0x3FB1];
	_ =	sdelay $0x3  }
0x33: {  	p0 =	seq.s32 s10, $0x1;
	s10 =	sld [smem:$0x3FB3];
	_ =	sdelay $0x3  }
0x34: {  	[smem:$0x3FB3] =	sst s10  }
0x35: {  	s10 =	sld [smem:$0x3FB2];
	_ =	sdelay $0x3  }
0x36: {  	p1 =	seq.s32 s10, $0x1;
	s10 =	sld [smem:$0x3FB3];
	_ =	sdelay $0x3  }
0x37: {  	[smem:$0x3FB3] =	sst s10  }
0x38: {  	s10 =	sld [smem:$0x3FB4]  }
0x39: {  	_ = 	snop;
	(pc) =	sbr.ind lr, $3  }
0x3a: {  	_ = 	snop  }
0x3b: {  	_ = 	snop  }
0x3c: {  	p2 =	seq.s32 s10, $0x1;
	s10 =	sld [smem:$0x3FB3]  }
0x3d: {  	_ =	shalt  }
0x3e: {  	_ =	shalt  }
0x3f: {  	_ =	shalt  }
0x40: {  	_ =	shalt  }
0x41: {  	_ =	shalt  }
0x42: {  	_ =	shalt  }
0x43: {  	_ =	shalt  }
0x44: {  	_ =	shalt  }
0x45: {  	_ =	shalt  }
0x46: {  	_ =	shalt  }
0x47: {  	_ =	shalt  }
0x48: {  	_ =	shalt  }
0x49: {  	_ =	shalt  }
0x4a: {  	_ =	shalt  }
0x4b: {  	_ =	shalt  }
0x4c: {  	_ =	shalt  }
0x4d: {  	_ =	shalt  }
0x4e: {  	_ =	shalt  }
0x4f: {  	_ =	shalt  }
0x50: {  	_ =	shalt  }
0x51: {  	_ =	shalt  }
0x52: {  	_ =	shalt  }
0x53: {  	_ =	shalt  }
0x54: {  	_ =	shalt  }
0x55: {  	_ =	shalt  }
0x56: {  	_ =	shalt  }
0x57: {  	_ =	shalt  }
0x58: {  	_ =	shalt  }
0x59: {  	_ =	shalt  }
0x5a: {  	_ =	shalt  }
0x5b: {  	_ =	shalt  }
0x5c: {  	_ =	shalt  }
0x5d: {  	_ =	shalt  }
0x5e: {  	_ =	shalt  }
0x5f: {  	_ =	shalt  }
0x60: {  	_ =	shalt  }
0x61: {  	_ =	shalt  }
0x62: {  	_ =	shalt  }
0x63: {  	_ =	shalt  }
0x64: {  	_ =	shalt  }
0x65: {  	_ =	shalt  }
0x66: {  	_ =	shalt  }
0x67: {  	_ =	shalt  }
0x68: {  	_ =	shalt  }
0x69: {  	_ =	shalt  }
0x6a: {  	_ =	shalt  }
0x6b: {  	_ =	shalt  }
0x6c: {  	_ =	shalt  }
0x6d: {  	_ =	shalt  }
0x6e: {  	_ =	shalt  }
0x6f: {  	_ =	shalt  }
0x70: {  	_ =	shalt  }
0x71: {  	_ =	shalt  }
0x72: {  	_ =	shalt  }
0x73: {  	_ =	shalt  }
0x74: {  	_ =	shalt  }
0x75: {  	_ =	shalt  }
0x76: {  	_ =	shalt  }
0x77: {  	_ =	shalt  }
0x78: {  	_ =	shalt  }
0x79: {  	_ =	shalt  }
0x7a: {  	_ =	shalt  }
0x7b: {  	_ =	shalt  }
0x7c: {  	_ =	shalt  }
0x7d: {  	_ =	shalt  }
0x7e: {  	_ =	shalt  }
0x7f: {  	_ =	shalt  }
0x80: {  	_ =	shalt  }
0x81: {  	_ =	shalt  }
0x82: {  	_ =	shalt  }
0x83: {  	_ =	shalt  }
0x84: {  	_ =	shalt  }
0x85: {  	_ =	shalt  }
0x86: {  	_ =	shalt  }
0x87: {  	_ =	shalt  }
.Lfunc_end0:
.L_simem_size_0:
called_computation.2_lowered:
.L_overlay_start_0:
0x88: {  	s2 =	sld [smem:$0x3FD9]  }
0x89: {  	s3 =	sld [smem:$0x3FFE];
	_ =	sdelay $0x1  }
0x8a: {  	s1 =	srdreg.scid  }
0x8b: {  	s0 =	sand.u32 $0x1, s1  }
0x8c: {  	s16 =	sshll.u32 s0, $0xA;
	s2 =	sadd.s32 s3, s2  }
0x8d: {  	s2 =	sadd.s32 s2, s16  }
0x8e: {  	[smem:$0x3FBF] =	sst s2  }
0x8f: {  	_ = 	snop  }
0x90: {  	(tm) =	ssettm $0x1  }
0x91: {  	s17 =	sld [smem:$0x3FFB];
	_ =	sdelay $0x3  }
0x92: {  	_ =	strace s17  }
0x93: {  	s2 =	sld [smem:$0x3FFC];
	_ =	sdelay $0x3  }
0x94: {  	_ =	strace s2  }
0x95: {  	s2 =	sld [smem:$0x3FFD];
	_ =	sdelay $0x3  }
0x96: {  	_ =	strace s2  }
0x97: {  	_ =	strace $0x8FFFFFFF  }
0x98: {  	s18 =	sld [smem:$0x3FDB];
	_ =	sdelay $0x1  }
0x99: {  	s19 =	simm.s32 $_scs_section_size  }
0x9a: {  	s4 =	simm.s32 $_size__tile_overlayer_lowered;
	s5 =	simm.s32 $_tile_overlayer_lowered  }
0x9b: {  	s22 =	simm.s32 $0x1BFF;
	s21 =	sshll.u32 s5, $0x1;
	s2 =	sadd.s32 s19, s18  }
0x9c: {  	s6 =	simm.s32 $0x0;
	s20 =	sshll.u32 s4, $0x1;
	s4 =	sadd.s32 s21, s2  }
0x9d: {  	[timem:s6], [sflag:s22] =	dma.local [hbm:s4], s20  }
0x9e: {  	_ =	swait.ge [sflag:s22], s20  }
0x9f: {  	s3 =	ssub.s32 $0x0, s20;
	[sflag:s22] =	ssyncset.done $0x0  }
0xa0: {  	[sflag:s22] =	ssyncadd.s32 s3;
	_ =	sdelay $0x1  }
0xa1: {  	s23 =	simm.s32 $0x1B8B  }
0xa2: {  	_ =	swait.ge [sflag:s23], $0x1  }
0xa3: {  	[sflag:s23] =	ssyncset.done $0x0  }
0xa4: {  	s25 =	simm.s32 $0x1B8E;
	s24 =	sld [smem:$0x3FFE];
	[sflag:s23] =	ssyncadd.s32 $0xFFFFFFFF  }
0xa5: {  	s26 =	simm.s32 $execute0_lowered;
	[smem:$0x3FD2] =	sst s25  }
0xa6: {  	s4 =	sshll.u32 s26, $0x1;
	_ =	strace $0x8000004C;
	[dreg:$0x1] =	wrdreg $0xFFFFFFFF  }
0xa7: {  	s28 =	simm.s32 $_size_execute0_lowered;
	s2 =	sadd.s32 s2, s4;
	[dreg:$0x0] =	wrdreg $0x0  }
0xa8: {  	s4 =	sshll.u32 s28, $0x1;
	[dreg:$0x2] =	wrdreg s2  }
0xa9: {  	[dreg:$0x3] =	wrdreg s4  }
0xaa: {  	[dreg:$0x4] =	wrdreg $0xC0  }
0xab: {  	_ =	task [dreg:s6], $0x5FFFF  }
0xac: {  	[dreg:$0x1] =	wrdreg $0xFFFFFFFF  }
0xad: {  	[dreg:$0x0] =	wrdreg $0x60  }
0xae: {  	[dreg:$0x2] =	wrdreg s24  }
0xaf: {  	[dreg:$0x3] =	wrdreg $0xA0000  }
0xb0: {  	[dreg:$0x4] =	wrdreg $0x9  }
0xb1: {  	_ =	task.clear_ibuf [dreg:s6], $0x5FFFF;
	_ =	strace $0x9000004C  }
0xb2: {  	s29 =	simm.s32 $0x9;
	_ =	strace $0x8000004E  }
0xb3: {  	_ =	swait.ge [sflag:s29], $0x1  }
0xb4: {  	[sflag:s29] =	ssyncadd.s32 $0xFFFFFFFF  }
0xb5: {  	_ =	strace $0x9000004E  }
0xb6: {  	_ =	sfence  }
0xb7: {  	s30 =	sld [smem:$0x0];
	_ =	sdelay $0x2  }
0xb8: {  	s31 =	sshll.u32 s1, $0xD;
	s1 =	sshrl.u32 s1, $0x2  }
0xb9: {  	s3 =	sand.u32 $0x4000, s31;
	s1 =	sadd.s32 s1, s30  }
0xba: {  	s0 =	sor.u32 s3, s0;
	s1 =	sshll.u32 s1, $0x11  }
0xbb: {  	s0 =	sor.u32 s1, s0  }
0xbc: {  	s0 =	sadd.s32 $0x8F2B, s0  }
0xbd: {  	[sflag:s0] =	ssyncadd.remote.s32 $0x1  }
0xbe: {  	_ =	sfence.sel $0xFFFF  }
0xbf: {  	[dreg:$0x0] =	wrdreg $0xFFFFFFFF;
	(pc) =	sbr.abs _section_cstart, $3  }
0xc0: {  	[dreg:$0x1] =	wrdreg $0xFFFFFFFF  }
0xc1: {  	_ =	task.clear_ibuf [dreg:s6], $0x2FFFF;
	_ =	strace $0x9FFFFFFF  }
0xc2: {  	(tm) =	ssettm $0x7FFFFFFF  }
0xc3: {  	_ =	shalt  }
tec
execute0_lowered:
.L_overlay_start_1:
0x0: {  	(tag) =	ssettag $0x1  }
0x1: {  	s7 =	rddreg [dreg:$0x0]  }
0x2: {  	s2 =	rddreg [dreg:$0x1]  }
0x3: {  	s0 =	rddreg [dreg:$0x2];
	s3 =	simm.s32 $0x0;
	s1 =	stileid.u32  }
0x4: {  	s8 =	srdreg.scid;
	s14 =	simm.s32 $0x3800;
	s15 =	simm.s32 $0x2  }
0x5: {  	s18 =	simm.s32 $0x60;
	s19 =	simm.s32 $0x7000;
	s20 =	simm.s32 $0x1  }
0x6: {  	s21 =	simm.s32 $0x0;
	[smem:$0x7FF] =	sst s3;
	s6 =	smul.u32 $0xE00, s1  }
0x7: {  	s4 =	sadd.s32 $0x2C00, s7;
	s5 =	sadd.s32 $0x2AC00, s7;
	s11 =	smul.u32 $0x50000, s1  }
0x8: {  	s10 =	sand.u32 $0x1, s8;
	s8 =	smul.u32 $0x2800, s1;
	s16 =	sshll.u32 s1, $0x6  }
0x9: {  	_ =	strace $0x8000004D;
	s9 =	ssub.s32 $0x2, s10;
	p0 =	seq.s32 s10, $0x1  }
.Ltmp0:
0xa: {  	s16 =	sor.u32 $0x1C02, s16;
	s13 =	sadd.s32 s6, s7;
	(pc) =	sbr.rel .LBB2_1-.Ltmp0, $4  }
0xb: {  	s6 =	sadd.s32 $0x66E00, s7;
	s7 =	sadd.s32 $0x8EE00, s7;
	s12 =	sshrl.u32 s9, $0x1  }
0xc: {  	s11 =	sshrl.u32 s11, $0x2;
	s10 =	sadd.s32 s4, s8;
	s12 =	ssub.s32 s9, s12  }
0xd: {  	s9 =	sadd.s32 $0x58E00, s13;
	s17 =	sadd.s32 s11, s2;
	s11 =	sadd.s32 s5, s8  }
0xe: {  	s13 =	sadd.s32 $0x59500, s13;
	s12 =	smax.u32 s12, $0x1;
	s17 =	sshrl.u32 s17, $0x3  }
.LBB2_7:
0xf: {  	s22 =	sshra.s32 s22, $0x2;
	[sflag:s15] =	ssyncadd.s32 $0xFFFFD000  }
0x10: {  	[tilespmem:s19], [sflag:$0x1] =	stream.indirect.gather [hbm4b:s5+s18], $0x80, s22, s18, $0xb8;
	[tilespmem:$0x1E000] =	vst v63  }
0x11: {  	_ =	swait.ge [sflag:s20], $0x3000  }
0x12: {  	[sflag:s20] =	ssyncset.done $0x0  }
0x13: {  	s22 =	sadd.s32 $0x3800, s22;
	[sflag:s20] =	ssyncadd.s32 $0xFFFFD000  }
0x14: {  	[spmem:s2] =	stream.indirect.scatter.add.f32 [tilespmem:s19], [sflag:$0x2], $0x80, s22, s18, $0xb8;
	[tilespmem:$0x1E000] =	vst v63  }
0x15: {  	_ =	swait.ge [sflag:s15], $0x3000  }
0x16: {  	[sflag:s15] =	ssyncset.done $0x0  }
0x17: {  	s22 =	smov.u32 s7;
	[sflag:s15] =	ssyncadd.s32 $0xFFFFD000  }
.LBB2_8:
0x18: {  	s21 =	sadd.s32 $0x1, s21  }
0x19: {  	p1 =	sne.s32 s21, s12  }
.Ltmp1:
0x1a: {  	s22 =	sadd.s32 s22, s8;
	[bflag:$0x0] =	sbarrier.arrive $0xFFFF;
	(pc) =	sbr.rel @!p1 .LBB2_9-.Ltmp1, $4  }
0x1b: {  	[hbm:s22], [sflag:s16] =	dma.local [spmem:s17], $0x2800  }
0x1c: {  	_ =	swait.ge [sflag:s15], $0x2800  }
0x1d: {  	[sflag:s15] =	ssyncset.done $0x0  }
0x1e: {  	[sflag:s15] =	ssyncadd.s32 $0xFFFFD800  }
.LBB2_1:
0x1f: {  	[tilespmem:s3], [sflag:$0x2] =	stream.linear.gather [hbm4b:s9+s3], $0x3480, $0x38;
	[tilespmem:$0x1E000] =	vst v63  }
.Ltmp2:
0x20: {  	_ = 	snop;
	(pc) =	sbr.rel @!p0 .LBB2_2-.Ltmp2, $4  }
0x21: {  	[tilespmem:s14], [sflag:$0x2] =	stream.linear.gather [hbm4b:s13+s3], $0x3480, $0x38;
	[tilespmem:$0x1E000] =	vst v63  }
0x22: {  	_ =	swait.ge [sflag:s15], $0x6900  }
0x23: {  	[sflag:s15] =	ssyncset.done $0x0  }
0x24: {  	[sflag:s15] =	ssyncadd.s32 $0xFFFF9700  }
0x25: {  	[spmem:s17], [sflag:s16] =	dma.local [hbm:s11], $0x2800  }
0x26: {  	_ =	swait.ge [sflag:s15], $0x2800  }
0x27: {  	[sflag:s15] =	ssyncset.done $0x0  }
0x28: {  	[sflag:s15] =	ssyncadd.s32 $0xFFFFD800  }
0x29: {  	s22 =	simm.s32 $0x0;
	[bflag:$0x0] =	sbarrier.arrive $0xFFFF  }
0x2a: {  	[tilespmem:s19], [sflag:$0x1] =	stream.indirect.gather [hbm4b:s5+s18], $0x80, s22, s18, $0xb8;
	[tilespmem:$0x1E000] =	vst v63  }
0x2b: {  	_ =	swait.ge [sflag:s20], $0x3000  }
0x2c: {  	[sflag:s20] =	ssyncset.done $0x0  }
0x2d: {  	s31 =	simm.s32 $0x3800;
	[sflag:s20] =	ssyncadd.s32 $0xFFFFD000  }
0x2e: {  	[spmem:s2] =	stream.indirect.scatter.add.f32 [tilespmem:s19], [sflag:$0x2], $0x80, s31, s18, $0xb8;
	[tilespmem:$0x1E000] =	vst v63  }
0x2f: {  	_ =	swait.ge [sflag:s15], $0x3000  }
0x30: {  	s23 =	simm.s32 $0x400;
	s22 =	simm.s32 $0x200;
	[sflag:s15] =	ssyncset.done $0x0  }
.LBB2_6:
0x31: {  	s24 =	sshra.s32 s22, $0x2  }
0x32: {  	[sflag:s15] =	ssyncadd.s32 $0xFFFFD000;
	s22 =	smov.u32 s23;
	s25 =	sadd.s32 $0x200, s23  }
0x33: {  	[tilespmem:s19], [sflag:$0x1] =	stream.indirect.gather [hbm4b:s5+s18], $0x80, s24, s18, $0xb8;
	[tilespmem:$0x1E000] =	vst v63  }
0x34: {  	p1 =	sne.s32 s23, $0xD000;
	_ =	swait.ge [sflag:s20], $0x3000  }
.Ltmp3:
0x35: {  	[sflag:s20] =	ssyncset.done $0x0;
	(pc) =	sbr.rel @p1 .LBB2_6-.Ltmp3, $4  }
0x36: {  	s23 =	sadd.s32 $0x3800, s24;
	[sflag:s20] =	ssyncadd.s32 $0xFFFFD000  }
0x37: {  	[spmem:s2] =	stream.indirect.scatter.add.f32 [tilespmem:s19], [sflag:$0x2], $0x80, s23, s18, $0xb8;
	[tilespmem:$0x1E000] =	vst v63  }
0x38: {  	_ =	swait.ge [sflag:s15], $0x3000  }
0x39: {  	s23 =	smov.u32 s25;
	[sflag:s15] =	ssyncset.done $0x0  }
.Ltmp4:
0x3a: {  	_ = 	snop;
	(pc) =	sbr.rel .LBB2_7-.Ltmp4, $1  }
0x3b: {  	_ =	sdelay $0x3  }
.LBB2_2:
0x3c: {  	[spmem:s17], [sflag:s16] =	dma.local [hbm:s10], $0x2800  }
0x3d: {  	_ =	swait.ge [sflag:s15], $0x2800  }
0x3e: {  	[sflag:s15] =	ssyncset.done $0x0  }
0x3f: {  	[sflag:s15] =	ssyncadd.s32 $0xFFFFD800  }
0x40: {  	s22 =	simm.s32 $0x0;
	[bflag:$0x0] =	sbarrier.arrive $0xFFFF  }
0x41: {  	[tilespmem:s19], [sflag:$0x1] =	stream.indirect.gather [hbm4b:s4+s18], $0x80, s22, s18, $0xb8;
	[tilespmem:$0x1E000] =	vst v63  }
0x42: {  	_ =	swait.ge [sflag:s20], $0x3000  }
0x43: {  	[sflag:s20] =	ssyncset.done $0x0  }
0x44: {  	s31 =	simm.s32 $0x3800;
	[sflag:s20] =	ssyncadd.s32 $0xFFFFD000  }
0x45: {  	[spmem:s2] =	stream.indirect.scatter.add.f32 [tilespmem:s19], [sflag:$0x2], $0x80, s31, s18, $0xb8;
	[tilespmem:$0x1E000] =	vst v63  }
0x46: {  	_ =	swait.ge [sflag:s15], $0x3000  }
0x47: {  	s23 =	simm.s32 $0x400;
	s22 =	simm.s32 $0x200;
	[sflag:s15] =	ssyncset.done $0x0  }
.LBB2_3:
0x48: {  	s24 =	sshra.s32 s22, $0x2  }
0x49: {  	[sflag:s15] =	ssyncadd.s32 $0xFFFFD000;
	s22 =	smov.u32 s23;
	s25 =	sadd.s32 $0x200, s23  }
0x4a: {  	[tilespmem:s19], [sflag:$0x1] =	stream.indirect.gather [hbm4b:s4+s18], $0x80, s24, s18, $0xb8;
	[tilespmem:$0x1E000] =	vst v63  }
0x4b: {  	p1 =	seq.s32 s23, $0xD000;
	_ =	swait.ge [sflag:s20], $0x3000  }
.Ltmp5:
0x4c: {  	[sflag:s20] =	ssyncset.done $0x0;
	(pc) =	sbr.rel @!p1 .LBB2_3-.Ltmp5, $4  }
0x4d: {  	s23 =	sadd.s32 $0x3800, s24;
	[sflag:s20] =	ssyncadd.s32 $0xFFFFD000  }
0x4e: {  	[spmem:s2] =	stream.indirect.scatter.add.f32 [tilespmem:s19], [sflag:$0x2], $0x80, s23, s18, $0xb8;
	[tilespmem:$0x1E000] =	vst v63  }
0x4f: {  	_ =	swait.ge [sflag:s15], $0x3000  }
0x50: {  	s23 =	smov.u32 s25;
	[sflag:s15] =	ssyncset.done $0x0  }
0x51: {  	s22 =	sshra.s32 s22, $0x2;
	[sflag:s15] =	ssyncadd.s32 $0xFFFFD000  }
0x52: {  	[tilespmem:s19], [sflag:$0x1] =	stream.indirect.gather [hbm4b:s4+s18], $0x80, s22, s18, $0xb8;
	[tilespmem:$0x1E000] =	vst v63  }
0x53: {  	_ =	swait.ge [sflag:s20], $0x3000  }
0x54: {  	[sflag:s20] =	ssyncset.done $0x0  }
.Ltmp6:
0x55: {  	s22 =	sadd.s32 $0x3800, s22;
	[sflag:s20] =	ssyncadd.s32 $0xFFFFD000;
	(pc) =	sbr.rel .LBB2_8-.Ltmp6, $4  }
0x56: {  	[spmem:s2] =	stream.indirect.scatter.add.f32 [tilespmem:s19], [sflag:$0x2], $0x80, s22, s18, $0xb8;
	[tilespmem:$0x1E000] =	vst v63  }
0x57: {  	_ =	swait.ge [sflag:s15], $0x3000  }
0x58: {  	[sflag:s15] =	ssyncset.done $0x0  }
0x59: {  	s22 =	smov.u32 s6;
	[sflag:s15] =	ssyncadd.s32 $0xFFFFD000  }
.LBB2_9:
0x5a: {  	_ =	sfence.sel $0x180000  }
0x5b: {  	[bflag:$0x0] =	sbarrier.arrive $0xFFFF  }
0x5c: {  	p0 =	sne.s32 s1, $0x0;
	_ =	strace $0x9000004D  }
0x5d: {  	s0 =	sadd.s32 @!p0 $0x100000, s0;
	[bflag:$0x2] =	sbarrier.arrive $0xFFFF  }
0x5e: {  	[sflag:s0] =	ssyncadd.tile.s32 @!p0 $0x1;
	_ =	shalt  }
.Lfunc_end2:
_tile_overlayer_lowered:
.L_overlay_start_2:
0x5f: {  	(tag) =	ssettag $0x2  }
0x60: {  	s0 =	rddreg [dreg:$0x0];
	s2 =	stileid.u32  }
0x61: {  	s1 =	rddreg [dreg:$0x1];
	p0 =	sne.s32 s2, $0x0  }
0x62: {  	s3 =	rddreg [dreg:$0x2];
	[bflag:$0x3] =	sbarrier.arrive $0xFFFF;
	s2 =	simm.s32 @!p0 $0x1C02  }
0x63: {  	[timem:s3], [sflag:s2] =	dma.local @!p0 [hbm:s0], s1  }
0x64: {  	s0 =	simm.s32 @!p0 $0x2  }
0x65: {  	_ =	swait.ge @!p0 [sflag:s0], s1  }
0x66: {  	s1 =	ssub.s32 @!p0 $0x0, s1;
	[sflag:s0] =	ssyncset.done @!p0 $0x0  }
0x67: {  	[sflag:s0] =	ssyncadd.s32 @!p0 s1  }
0x68: {  	[bflag:$0x3] =	sbarrier.arrive $0xFFFF  }
0x69: {  	_ =	shalt  }

// kernel: kernel.8.cloned.1.call-start
scs
__scs_entry_jumppad:
0x0: {  	(pc) =	sbr.rel $0x88, $3  }
0x1: {  	(tag) =	ssettag $0x0;
	lr =	simm.s32 $0x1  }
0x2: {  	[smem:$0x3F98] =	sst lr;
	_ =	strace $0xD0000000  }
0x3: {  	_ = 	snop  }
0x4: {  	_ = 	snop  }
0x5: {  	_ = 	snop  }
0x6: {  	_ = 	snop  }
0x7: {  	_ = 	snop  }
__scs_overlays_trampoline_lowered:
0x8: {  	[smem:$0x3FA7] =	sst s0  }
0x9: {  	[smem:$0x3FA8] =	sst s1  }
0xa: {  	[smem:$0x3FA9] =	sst s2  }
0xb: {  	[smem:$0x3FAA] =	sst s3  }
0xc: {  	[smem:$0x3FAB] =	sst s4  }
0xd: {  	[smem:$0x3FAC] =	sst s5  }
0xe: {  	[smem:$0x3FAD] =	sst s6  }
0xf: {  	[smem:$0x3FAE] =	sst s7  }
0x10: {  	[smem:$0x3FAF] =	sst s8  }
0x11: {  	[smem:$0x3FB0] =	sst s9;
	s0 =	simm.s32 @!p0 $0x0  }
0x12: {  	s1 =	sld [smem:$0x3F96];
	s0 =	simm.s32 @p0 $0x1  }
0x13: {  	[smem:$0x3FB1] =	sst s0;
	s0 =	simm.s32 @!p1 $0x0  }
0x14: {  	s2 =	sld [smem:$0x3F95];
	s0 =	simm.s32 @p1 $0x1  }
0x15: {  	[smem:$0x3FB2] =	sst s0;
	s0 =	simm.s32 @!p2 $0x0  }
0x16: {  	s3 =	sld [smem:$0x3FDB];
	s0 =	simm.s32 @p2 $0x1  }
0x17: {  	s4 =	simm.s32 $0x1BF5;
	[smem:$0x3FB4] =	sst s0  }
0x18: {  	s0 =	sld [smem:$0x3F97];
	_ =	swait.ge [sflag:s4], $0x0  }
0x19: {  	s7 =	sld [smem:$0x3F98]  }
0x1a: {  	s8 =	sadd.s32 $0xFFFFE003, lr  }
0x1b: {  	s9 =	sadd.s32 $0xFFFFFEF7, lr;
	s5 =	simm.s32 $0xFFFFFFFF;
	p2 =	slt.u32 s8, $0xFFFFF086  }
0x1c: {  	p1 =	slt.u32 s9, $0xF7A;
	s5 =	simm.s32 @!p2 $0x0  }
0x1d: {  	s5 =	simm.s32 @p1 $0x1;
	p0 =	seq.s32 s7, s2  }
0x1e: {  	s7 =	smul.u32 @!p0 $0xF7A, s2;
	p2 =	seq.s32 @!p0 s5, $0x0  }
0x1f: {  	s9 =	smul.u32 $0xF7A, s1;
	s8 =	simm.s32 @!p0 $0x1BF5;
	p2 =	por !p2, p0  }
0x20: {  	[sflag:s8] =	ssyncset.s32 @!p0 $0xFFFFF086;
	s6 =	sadd.s32 @!p0 s3, s7;
	s7 =	simm.s32 @!p0 $0x108  }
0x21: {  	s3 =	sadd.s32 s3, s9;
	s6 =	sadd.s32 @!p0 $0x88, s6;
	s7 =	simm.s32 @p2 $0x1082  }
0x22: {  	[simem:s7], [sflag:s8] =	dma.local @!p0 [hbm:s6], $0xF7A  }
0x23: {  	s9 =	sor.u32 $0xD0000000, s2;
	s6 =	simm.s32 $0x108;
	_ =	swait.ge @!p0 [sflag:s8], $0x0  }
0x24: {  	s3 =	sadd.s32 $0x88, s3;
	s6 =	simm.s32 @!p1 $0x1082;
	[sflag:s4] =	ssyncset.s32 $0xFFFFF086  }
0x25: {  	[simem:s6], [sflag:s4] =	dma.local [hbm:s3], $0xF7A  }
0x26: {  	[smem:$0x3F98] =	sst s1;
	(tag) =	ssettag s2;
	_ =	strace s9  }
0x27: {  	s1 =	sld [smem:$0x3FA8]  }
0x28: {  	s2 =	sld [smem:$0x3FA9]  }
0x29: {  	s4 =	sld [smem:$0x3FAB]  }
0x2a: {  	p0 =	seq.s32 s5, $0x0;
	s5 =	sld [smem:$0x3FAC]  }
0x2b: {  	s6 =	sld [smem:$0x3FAD]  }
0x2c: {  	s7 =	sld [smem:$0x3FAE]  }
0x2d: {  	s3 =	simm.s32 $0x108;
	s8 =	sld [smem:$0x3FAF]  }
0x2e: {  	s3 =	simm.s32 @!p0 $0x1082;
	s9 =	sld [smem:$0x3FB0]  }
0x2f: {  	lr =	sadd.s32 s0, s3;
	s0 =	sld [smem:$0x3FA7]  }
0x30: {  	s3 =	sld [smem:$0x3FAA]  }
0x31: {  	[smem:$0x3FB3] =	sst s10  }
0x32: {  	s10 =	sld [smem:$0x3FB1];
	_ =	sdelay $0x3  }
0x33: {  	p0 =	seq.s32 s10, $0x1;
	s10 =	sld [smem:$0x3FB3];
	_ =	sdelay $0x3  }
0x34: {  	[smem:$0x3FB3] =	sst s10  }
0x35: {  	s10 =	sld [smem:$0x3FB2];
	_ =	sdelay $0x3  }
0x36: {  	p1 =	seq.s32 s10, $0x1;
	s10 =	sld [smem:$0x3FB3];
	_ =	sdelay $0x3  }
0x37: {  	[smem:$0x3FB3] =	sst s10  }
0x38: {  	s10 =	sld [smem:$0x3FB4]  }
0x39: {  	_ = 	snop;
	(pc) =	sbr.ind lr, $3  }
0x3a: {  	_ = 	snop  }
0x3b: {  	_ = 	snop  }
0x3c: {  	p2 =	seq.s32 s10, $0x1;
	s10 =	sld [smem:$0x3FB3]  }
0x3d: {  	_ =	shalt  }
0x3e: {  	_ =	shalt  }
0x3f: {  	_ =	shalt  }
0x40: {  	_ =	shalt  }
0x41: {  	_ =	shalt  }
0x42: {  	_ =	shalt  }
0x43: {  	_ =	shalt  }
0x44: {  	_ =	shalt  }
0x45: {  	_ =	shalt  }
0x46: {  	_ =	shalt  }
0x47: {  	_ =	shalt  }
0x48: {  	_ =	shalt  }
0x49: {  	_ =	shalt  }
0x4a: {  	_ =	shalt  }
0x4b: {  	_ =	shalt  }
0x4c: {  	_ =	shalt  }
0x4d: {  	_ =	shalt  }
0x4e: {  	_ =	shalt  }
0x4f: {  	_ =	shalt  }
0x50: {  	_ =	shalt  }
0x51: {  	_ =	shalt  }
0x52: {  	_ =	shalt  }
0x53: {  	_ =	shalt  }
0x54: {  	_ =	shalt  }
0x55: {  	_ =	shalt  }
0x56: {  	_ =	shalt  }
0x57: {  	_ =	shalt  }
0x58: {  	_ =	shalt  }
0x59: {  	_ =	shalt  }
0x5a: {  	_ =	shalt  }
0x5b: {  	_ =	shalt  }
0x5c: {  	_ =	shalt  }
0x5d: {  	_ =	shalt  }
0x5e: {  	_ =	shalt  }
0x5f: {  	_ =	shalt  }
0x60: {  	_ =	shalt  }
0x61: {  	_ =	shalt  }
0x62: {  	_ =	shalt  }
0x63: {  	_ =	shalt  }
0x64: {  	_ =	shalt  }
0x65: {  	_ =	shalt  }
0x66: {  	_ =	shalt  }
0x67: {  	_ =	shalt  }
0x68: {  	_ =	shalt  }
0x69: {  	_ =	shalt  }
0x6a: {  	_ =	shalt  }
0x6b: {  	_ =	shalt  }
0x6c: {  	_ =	shalt  }
0x6d: {  	_ =	shalt  }
0x6e: {  	_ =	shalt  }
0x6f: {  	_ =	shalt  }
0x70: {  	_ =	shalt  }
0x71: {  	_ =	shalt  }
0x72: {  	_ =	shalt  }
0x73: {  	_ =	shalt  }
0x74: {  	_ =	shalt  }
0x75: {  	_ =	shalt  }
0x76: {  	_ =	shalt  }
0x77: {  	_ =	shalt  }
0x78: {  	_ =	shalt  }
0x79: {  	_ =	shalt  }
0x7a: {  	_ =	shalt  }
0x7b: {  	_ =	shalt  }
0x7c: {  	_ =	shalt  }
0x7d: {  	_ =	shalt  }
0x7e: {  	_ =	shalt  }
0x7f: {  	_ =	shalt  }
0x80: {  	_ =	shalt  }
0x81: {  	_ =	shalt  }
0x82: {  	_ =	shalt  }
0x83: {  	_ =	shalt  }
0x84: {  	_ =	shalt  }
0x85: {  	_ =	shalt  }
0x86: {  	_ =	shalt  }
0x87: {  	_ =	shalt  }
.Lfunc_end0:
.L_simem_size_0:
called_computation_lowered:
.L_overlay_start_0:
0x88: {  	s2 =	sld [smem:$0x3FD9]  }
0x89: {  	s3 =	sld [smem:$0x3FFE];
	_ =	sdelay $0x1  }
0x8a: {  	s1 =	srdreg.scid  }
0x8b: {  	s0 =	sand.u32 $0x1, s1  }
0x8c: {  	s16 =	sshll.u32 s0, $0xA;
	s2 =	sadd.s32 s3, s2  }
0x8d: {  	s2 =	sadd.s32 s2, s16  }
0x8e: {  	[smem:$0x3FBF] =	sst s2  }
0x8f: {  	_ = 	snop  }
0x90: {  	(tm) =	ssettm $0x1  }
0x91: {  	s17 =	sld [smem:$0x3FFB];
	_ =	sdelay $0x3  }
0x92: {  	_ =	strace s17  }
0x93: {  	s2 =	sld [smem:$0x3FFC];
	_ =	sdelay $0x3  }
0x94: {  	_ =	strace s2  }
0x95: {  	s2 =	sld [smem:$0x3FFD];
	_ =	sdelay $0x3  }
0x96: {  	_ =	strace s2  }
0x97: {  	_ =	strace $0x8FFFFFFF  }
0x98: {  	s18 =	sld [smem:$0x3FDB];
	_ =	sdelay $0x1  }
0x99: {  	s19 =	simm.s32 $_scs_section_size  }
0x9a: {  	s4 =	simm.s32 $_size__tile_overlayer_lowered;
	s5 =	simm.s32 $_tile_overlayer_lowered  }
0x9b: {  	s22 =	simm.s32 $0x1BFF;
	s21 =	sshll.u32 s5, $0x1;
	s2 =	sadd.s32 s19, s18  }
0x9c: {  	s6 =	simm.s32 $0x0;
	s20 =	sshll.u32 s4, $0x1;
	s4 =	sadd.s32 s21, s2  }
0x9d: {  	[timem:s6], [sflag:s22] =	dma.local [hbm:s4], s20  }
0x9e: {  	_ =	swait.ge [sflag:s22], s20  }
0x9f: {  	s3 =	ssub.s32 $0x0, s20;
	[sflag:s22] =	ssyncset.done $0x0  }
0xa0: {  	[sflag:s22] =	ssyncadd.s32 s3;
	_ =	sdelay $0x1  }
0xa1: {  	s23 =	simm.s32 $0x1B8B  }
0xa2: {  	_ =	swait.ge [sflag:s23], $0x1  }
0xa3: {  	[sflag:s23] =	ssyncset.done $0x0  }
0xa4: {  	s25 =	simm.s32 $0x1B8E;
	s24 =	sld [smem:$0x3FFE];
	[sflag:s23] =	ssyncadd.s32 $0xFFFFFFFF  }
0xa5: {  	s26 =	simm.s32 $execute0_lowered;
	[smem:$0x3FD2] =	sst s25  }
0xa6: {  	s4 =	sshll.u32 s26, $0x1;
	_ =	strace $0x80000046;
	[dreg:$0x1] =	wrdreg $0xFFFFFFFF  }
0xa7: {  	s28 =	simm.s32 $_size_execute0_lowered;
	s2 =	sadd.s32 s2, s4;
	[dreg:$0x0] =	wrdreg $0x0  }
0xa8: {  	s4 =	sshll.u32 s28, $0x1;
	[dreg:$0x2] =	wrdreg s2  }
0xa9: {  	[dreg:$0x3] =	wrdreg s4  }
0xaa: {  	[dreg:$0x4] =	wrdreg $0xC0  }
0xab: {  	_ =	task [dreg:s6], $0x5FFFF  }
0xac: {  	[dreg:$0x1] =	wrdreg $0xFFFFFFFF  }
0xad: {  	[dreg:$0x0] =	wrdreg $0x60  }
0xae: {  	[dreg:$0x2] =	wrdreg s24  }
0xaf: {  	[dreg:$0x3] =	wrdreg $0x54000  }
0xb0: {  	[dreg:$0x4] =	wrdreg $0x9  }
0xb1: {  	_ =	task.clear_ibuf [dreg:s6], $0x5FFFF;
	_ =	strace $0x90000046  }
0xb2: {  	s29 =	simm.s32 $0x9;
	_ =	strace $0x80000048  }
0xb3: {  	_ =	swait.ge [sflag:s29], $0x1  }
0xb4: {  	[sflag:s29] =	ssyncadd.s32 $0xFFFFFFFF  }
0xb5: {  	_ =	strace $0x90000048  }
0xb6: {  	_ =	sfence  }
0xb7: {  	s30 =	sld [smem:$0x0];
	_ =	sdelay $0x2  }
0xb8: {  	s31 =	sshll.u32 s1, $0xD;
	s1 =	sshrl.u32 s1, $0x2  }
0xb9: {  	s3 =	sand.u32 $0x4000, s31;
	s1 =	sadd.s32 s1, s30  }
0xba: {  	s0 =	sor.u32 s3, s0;
	s1 =	sshll.u32 s1, $0x11  }
0xbb: {  	s0 =	sor.u32 s1, s0  }
0xbc: {  	s0 =	sadd.s32 $0x8F2B, s0  }
0xbd: {  	[sflag:s0] =	ssyncadd.remote.s32 $0x1  }
0xbe: {  	_ =	sfence.sel $0xFFFF  }
0xbf: {  	[dreg:$0x0] =	wrdreg $0xFFFFFFFF;
	(pc) =	sbr.abs _section_cstart, $3  }
0xc0: {  	[dreg:$0x1] =	wrdreg $0xFFFFFFFF  }
0xc1: {  	_ =	task.clear_ibuf [dreg:s6], $0x2FFFF;
	_ =	strace $0x9FFFFFFF  }
0xc2: {  	(tm) =	ssettm $0x7FFFFFFF  }
0xc3: {  	_ =	shalt  }
tec
execute0_lowered:
.L_overlay_start_1:
0x0: {  	(tag) =	ssettag $0x1  }
0x1: {  	s0 =	srdreg.scid;
	s5 =	rddreg [dreg:$0x0]  }
0x2: {  	s12 =	stileid.u32;
	s1 =	rddreg [dreg:$0x1];
	s2 =	simm.s32 $0x0  }
0x3: {  	s11 =	simm.s32 $0x1400;
	s4 =	sand.u32 $0x1, s0;
	s0 =	rddreg [dreg:$0x2]  }
0x4: {  	s14 =	simm.s32 $0x0;
	s28 =	sshll.u32 s12, $0x1;
	[smem:$0x7FF] =	sst s2  }
0x5: {  	s9 =	smul.u32 $0x50000, s12;
	s31 =	sshll.u32 s12, $0x6;
	p0 =	sne.s32 s12, $0x0  }
0x6: {  	s12 =	simm.s32 $0x80;
	s3 =	sor.u32 s4, s28;
	_ =	strace $0x80000047  }
0x7: {  	s7 =	smul.u32 $0x27100, s4;
	s8 =	ssub.s32 $0x2, s4;
	s4 =	sadd.s32 $0x7C00, s5  }
0x8: {  	s13 =	sshrl.u32 @!p0 s1, $0x3;
	s3 =	smul.u32 $0x280, s3;
	s29 =	sshrl.u32 s8, $0x1  }
0x9: {  	s30 =	sshrl.u32 s9, $0x2;
	s7 =	sadd.s32 s7, s5;
	s8 =	ssub.s32 s8, s29  }
0xa: {  	s10 =	sadd.s32 s30, s1;
	s6 =	sadd.s32 s3, s5;
	s3 =	sadd.s32 $0xA400, s5  }
0xb: {  	s5 =	sor.u32 $0x1C01, s31;
	s7 =	sadd.s32 $0xAC00, s7;
	s8 =	smax.u32 s8, $0x1  }
0xc: {  	s9 =	sshrl.u32 s10, $0x3;
	s10 =	simm.s32 $0x1;
	s6 =	sadd.s32 $0x2C00, s6  }
.LBB2_1:
0xd: {  	[spmem:s9], [sflag:s5] =	dma.local [hbm:s4], $0x2800  }
0xe: {  	_ =	swait.ge [sflag:s10], $0x2800  }
0xf: {  	[sflag:s10] =	ssyncset.done $0x0  }
0x10: {  	[sflag:s10] =	ssyncadd.s32 $0xFFFFD800  }
0x11: {  	[bflag:$0x0] =	sbarrier.arrive $0xFFFF  }
0x12: {  	[tilespmem:s11], [sflag:$0x1] =	stream.linear.gather [hbm4b:s3+s2], $0x4000, $0x38;
	[tilespmem:$0x19400] =	vst v63  }
0x13: {  	_ =	swait.ge [sflag:s10], $0x4000  }
0x14: {  	[sflag:s10] =	ssyncset.done $0x0  }
0x15: {  	[sflag:s10] =	ssyncadd.s32 $0xFFFFC000  }
0x16: {  	[tilespmem:s2], [sflag:$0x1] =	stream.linear.gather [hbm4b:s6+s2], $0x1400, $0x38;
	[tilespmem:$0x19400] =	vst v63  }
0x17: {  	_ =	swait.ge [sflag:s10], $0x1400  }
0x18: {  	[sflag:s10] =	ssyncset.done $0x0  }
0x19: {  	s15 =	simm.s32 $0x0;
	[sflag:s10] =	ssyncadd.s32 $0xFFFFEC00  }
0x1a: {  	[spmem:s1] =	stream.indirect.scatter.add.f32 [tilespmem:s11], [sflag:$0x1], $0x80, s15, s12, $0xb8;
	[tilespmem:$0x19400] =	vst v63  }
0x1b: {  	_ =	swait.ge [sflag:s10], $0x4000  }
0x1c: {  	s15 =	simm.s32 $0x200;
	[sflag:s10] =	ssyncset.done $0x0  }
.LBB2_2:
0x1d: {  	s16 =	sshra.s32 s15, $0x2;
	[sflag:s10] =	ssyncadd.s32 $0xFFFFC000;
	p1 =	sne.s32 s15, $0x4E00  }
0x1e: {  	[spmem:s1] =	stream.indirect.scatter.add.f32 [tilespmem:s11], [sflag:$0x1], $0x80, s16, s12, $0xb8;
	[tilespmem:$0x19400] =	vst v63  }
.Ltmp0:
0x1f: {  	_ = 	snop;
	(pc) =	sbr.rel @p1 .LBB2_2-.Ltmp0, $4  }
0x20: {  	_ = 	snop  }
0x21: {  	s15 =	sadd.s32 $0x200, s15  }
0x22: {  	_ =	swait.ge [sflag:s10], $0x4000  }
0x23: {  	[sflag:s10] =	ssyncset.done $0x0  }
0x24: {  	s14 =	sadd.s32 $0x1, s14  }
0x25: {  	[sflag:s10] =	ssyncadd.s32 $0xFFFFC000;
	p1 =	sne.s32 s14, s8  }
.Ltmp1:
0x26: {  	s15 =	simm.s32 @!p0 $0x1;
	[bflag:$0x0] =	sbarrier.arrive $0xFFFF;
	(pc) =	sbr.rel @p1 .LBB2_1-.Ltmp1, $4  }
0x27: {  	[hbm:s7], [sflag:s5] =	dma.local @!p0 [spmem:s13], $0x27100  }
0x28: {  	_ =	swait.ge @!p0 [sflag:s15], $0x27100  }
0x29: {  	[sflag:s15] =	ssyncset.done @!p0 $0x0  }
0x2a: {  	[sflag:s15] =	ssyncadd.s32 @!p0 $0xFFFD8F00  }
0x2b: {  	_ =	sfence.sel $0x180000  }
0x2c: {  	[bflag:$0x0] =	sbarrier.arrive $0xFFFF  }
0x2d: {  	_ =	strace $0x90000047  }
0x2e: {  	s0 =	sadd.s32 @!p0 $0x100000, s0;
	[bflag:$0x2] =	sbarrier.arrive $0xFFFF  }
0x2f: {  	[sflag:s0] =	ssyncadd.tile.s32 @!p0 $0x1;
	_ =	shalt  }
.Lfunc_end2:
_tile_overlayer_lowered:
.L_overlay_start_2:
0x30: {  	(tag) =	ssettag $0x2  }
0x31: {  	s0 =	rddreg [dreg:$0x0];
	s2 =	stileid.u32  }
0x32: {  	s1 =	rddreg [dreg:$0x1];
	p0 =	sne.s32 s2, $0x0  }
0x33: {  	s3 =	rddreg [dreg:$0x2];
	[bflag:$0x3] =	sbarrier.arrive $0xFFFF;
	s2 =	simm.s32 @!p0 $0x1C01  }
0x34: {  	[timem:s3], [sflag:s2] =	dma.local @!p0 [hbm:s0], s1  }
0x35: {  	s0 =	simm.s32 @!p0 $0x1  }
0x36: {  	_ =	swait.ge @!p0 [sflag:s0], s1  }
0x37: {  	s1 =	ssub.s32 @!p0 $0x0, s1;
	[sflag:s0] =	ssyncset.done @!p0 $0x0  }
0x38: {  	[sflag:s0] =	ssyncadd.s32 @!p0 s1  }
0x39: {  	[bflag:$0x3] =	sbarrier.arrive $0xFFFF  }
0x3a: {  	_ =	shalt  }

</sc_bundles>
